<compile_context>
chip_gen: v7x
topology: tpu7x:2x2x1
jax: 0.10.2.dev20260603
libtpu: 0.0.44.dev20260713+nightly
codegen_flags: <defaults>
</compile_context>

<pallas_src>
import functools

import jax
import jax.numpy as jnp
from jax import lax
from jax.experimental import pallas as pl
from jax.experimental.pallas import tpu as pltpu
from jax.experimental.pallas import tpu_sc as plsc

VOCAB = 1000
NTOK = 1024 * 50
LANES = 16
RB = 256
NBLK = (VOCAB + RB - 1) // RB


CPAD = 1024


def _adj_body(tbl_ref, adj_ref):
    t = tbl_ref[...]
    lz = jnp.log(jnp.sum(jnp.exp(t), axis=1))
    adj = lz[:, None] - t
    adj = jnp.concatenate(
        [adj, jnp.zeros((RB, CPAD - VOCAB), jnp.float32)], axis=1)
    adj_ref[...] = adj.reshape(RB * CPAD // 128, 128)


def _final_body(p_ref, out_ref):
    out_ref[0, 0] = jnp.sum(p_ref[...]) * (1.0 / NTOK)


def _make_token_kernel(nc, ns):
    nw = nc * ns
    tpw = NTOK // nw
    nvec = tpw // LANES
    full, rem = divmod(tpw, 128)
    mesh = plsc.VectorSubcoreMesh(core_axis_name="c", subcore_axis_name="s")

    @functools.partial(
        pl.kernel,
        mesh=mesh,
        out_type=jax.ShapeDtypeStruct((nw * LANES,), jnp.float32),
        scratch_types=[
            pltpu.VMEM((tpw,), jnp.int32),
            pltpu.VMEM((tpw,), jnp.float32),
            pltpu.VMEM((LANES,), jnp.float32),
            pltpu.SemaphoreType.DMA,
        ],
    )
    def token_kernel(idx_hbm, adj_hbm, part_hbm, idxv, pickv, accv, sem):
        cid = lax.axis_index("c")
        sid = lax.axis_index("s")
        wid = cid * ns + sid
        base = wid * tpw

        pltpu.sync_copy(idx_hbm.at[pl.ds(base, tpw)], idxv)

        handles = []
        for j in range(full):
            handles.append(pltpu.async_copy(
                adj_hbm.at[idxv.at[pl.ds(j * 128, 128)]],
                pickv.at[pl.ds(j * 128, 128)], sem))
        if rem:
            handles.append(pltpu.async_copy(
                adj_hbm.at[idxv.at[pl.ds(full * 128, rem)]],
                pickv.at[pl.ds(full * 128, rem)], sem))
        acc = jnp.zeros((LANES,), jnp.float32)
        for j, h in enumerate(handles):
            h.wait()
            off0 = j * 128
            nsub = min(128, tpw - off0) // LANES

            def acc_body(i, a, off0=off0):
                return a + pickv[pl.ds(off0 + i * LANES, LANES)]

            acc = lax.fori_loop(0, nsub, acc_body, acc)
        accv[...] = acc
        pltpu.sync_copy(accv, part_hbm.at[pl.ds(wid * LANES, LANES)])

    return token_kernel


def kernel(x, targets, table):
    info = plsc.get_sparse_core_info()
    nc, ns = info.num_cores, info.num_subcores

    adjf = pl.pallas_call(
        _adj_body,
        grid=(NBLK,),
        in_specs=[pl.BlockSpec((RB, VOCAB), lambda i: (i, 0))],
        out_specs=pl.BlockSpec((RB * CPAD // 128, 128), lambda i: (i, 0)),
        out_shape=jax.ShapeDtypeStruct((NBLK * RB * CPAD // 128, 128),
                                       jnp.float32),
    )(table)

    idxf = (x.astype(jnp.int32) * CPAD + targets.astype(jnp.int32)).reshape(-1)
    partials = _make_token_kernel(nc, ns)(idxf, adjf.reshape(-1))

    loss = pl.pallas_call(
        _final_body,
        out_shape=jax.ShapeDtypeStruct((1, 1), jnp.float32),
        out_specs=pl.BlockSpec(memory_space=pltpu.SMEM),
    )(partials)
    return loss.reshape(())

# --- scband reference (transcript-rebuilt; emitter-appended) ---
"""Pipeline reference for scband-biagram-language-model-15290083574218 (READ-ONLY COPY).

The authoritative reference and input builder live on the scoring server;
editing this copy changes nothing except your own understanding.
"""

import jax, jax.numpy as jnp
import numpy as np

VOCAB = 1000
B, T = 1024, 50

def setup_inputs(seed: int = 0) -> dict:
    key = jax.random.key(seed)
    k1, k2, k3 = jax.random.split(key, 3)
    x = jax.random.randint(k1, (B, T), 0, VOCAB, dtype=jnp.int64) if jax.config.jax_enable_x64 else jax.random.randint(k1, (B, T), 0, VOCAB, dtype=jnp.int32)
    targets = jax.random.randint(k2, (B, T), 0, VOCAB, dtype=jnp.int64) if jax.config.jax_enable_x64 else jax.random.randint(k2, (B, T), 0, VOCAB, dtype=jnp.int32)
    # learned parameter: token embedding table [num_embeddings, embedding_dim] = [VOCAB, VOCAB]
    table = jax.random.normal(k3, (VOCAB, VOCAB), dtype=jnp.float32) * 0.02
    return {"x": x, "targets": targets, "table": table}

def reference(x, targets, table):
    # logits = token_embedding(x)  -> gather rows of the table
    logits = jnp.take(table, x, axis=0)  # [B, T, C]
    Bb, Tt, C = logits.shape
    logits2 = logits.reshape(Bb * Tt, C)
    t = targets.reshape(Bb * Tt)
    # F.cross_entropy(logits2, t) with mean reduction
    logz = jax.scipy.special.logsumexp(logits2, axis=-1)
    picked = jnp.take_along_axis(logits2, t[:, None], axis=-1)[:, 0]
    loss = jnp.mean(logz - picked)
    return loss

if __name__ == "__main__":
    import jax
    _d = setup_inputs()
    print(jax.jit(kernel)(*tuple(_d.values())))

</pallas_src>

<mosaic_0001>
#map = affine_map<(d0, d1) -> (0)>
module attributes {stable_mosaic.version = 14 : i64} {
  func.func @token_kernel(%arg0: i32, %arg1: i32, %arg2: memref<51200xi32, #tpu.memory_space<hbm>>, %arg3: memref<1048576xf32, #tpu.memory_space<hbm>>, %arg4: memref<512xf32, #tpu.memory_space<hbm>>, %arg5: memref<1600xi32, #tpu.memory_space<vmem>>, %arg6: memref<1600xf32, #tpu.memory_space<vmem>>, %arg7: memref<16xf32, #tpu.memory_space<vmem>>, %arg8: memref<!tpu.dma_semaphore, #tpu.memory_space<semaphore_mem>>) attributes {dimension_semantics = [#tpu.dimension_semantics<core_parallel>, #tpu.dimension_semantics<subcore_parallel>], iteration_bounds = array<i64: 2, 16>, scalar_prefetch = 0 : i64, scratch_operands = 4 : i64, tpu.core_type = #tpu.core_type<sc_vector_subcore>, window_params = [{transform_indices = #map}, {transform_indices = #map}, {transform_indices = #map}]} {
    %mul3A = arith.constant 16 : i32
    %mul3A_0 = arith.muli %arg0, %mul3A : i32
    %add3A = arith.addi %mul3A_0, %arg1 : i32
    %mul3A_1 = arith.constant 1600 : i32
    %mul3A_2 = arith.muli %add3A, %mul3A_1 : i32
    "tpu.region"() ({
      %run_scoped3A = tpu.sem_alloc : memref<!tpu.dma_semaphore, #tpu.memory_space<semaphore_mem>>
      %dma_start3A_240 = tpu.memref_slice %arg2[%mul3A_2] : memref<51200xi32, #tpu.memory_space<hbm>> -> memref<1600xi32, #tpu.memory_space<hbm>>
      %dma_start3A_241 = tpu.memref_slice %arg2[%mul3A_2] : memref<51200xi32, #tpu.memory_space<hbm>> -> memref<1600xi32, #tpu.memory_space<hbm>>
      tpu.enqueue_dma source(%dma_start3A_241 : memref<1600xi32, #tpu.memory_space<hbm>>) target(%arg5 : memref<1600xi32, #tpu.memory_space<vmem>>) target_semaphore(%run_scoped3A : memref<!tpu.dma_semaphore, #tpu.memory_space<semaphore_mem>>)
      %dma_wait3A_242 = tpu.memref_slice %arg2[%mul3A_2] : memref<51200xi32, #tpu.memory_space<hbm>> -> memref<1600xi32, #tpu.memory_space<hbm>>
      %dma_wait3A_243 = tpu.memref_slice %arg2[%mul3A_2] : memref<51200xi32, #tpu.memory_space<hbm>> -> memref<1600xi32, #tpu.memory_space<hbm>>
      tpu.wait_dma2 semaphore(%run_scoped3A : memref<!tpu.dma_semaphore, #tpu.memory_space<semaphore_mem>>) src(%dma_wait3A_243 : memref<1600xi32, #tpu.memory_space<hbm>>) dst(%arg5 : memref<1600xi32, #tpu.memory_space<vmem>>)
      tpu.yield
    }) : () -> ()
    %dma_start3A = arith.constant 0 : i32
    %dma_start3A_3 = tpu.memref_slice %arg6[%dma_start3A] : memref<1600xf32, #tpu.memory_space<vmem>> -> memref<128xf32, #tpu.memory_space<vmem>>
    %dma_start3A_4 = arith.constant 0 : i32
    %dma_start3A_5 = tpu.memref_slice %arg5[%dma_start3A_4] : memref<1600xi32, #tpu.memory_space<vmem>> -> memref<128xi32, #tpu.memory_space<vmem>>
    %dma_start3A_6 = arith.constant 0 : i32
    %dma_start3A_7 = tpu.memref_slice %arg3[%dma_start3A_6] : memref<1048576xf32, #tpu.memory_space<hbm>> -> memref<1048576xf32, #tpu.memory_space<hbm>>
    tpu.enqueue_indirect_dma source(%dma_start3A_7 : memref<1048576xf32, #tpu.memory_space<hbm>>) target(%dma_start3A_3 : memref<128xf32, #tpu.memory_space<vmem>>) offsets(%dma_start3A_5 : memref<128xi32, #tpu.memory_space<vmem>>) semaphore(%arg8 : memref<!tpu.dma_semaphore, #tpu.memory_space<semaphore_mem>>)
    %dma_start3A_8 = arith.constant 128 : i32
    %dma_start3A_9 = tpu.memref_slice %arg6[%dma_start3A_8] : memref<1600xf32, #tpu.memory_space<vmem>> -> memref<128xf32, #tpu.memory_space<vmem>>
    %dma_start3A_10 = arith.constant 128 : i32
    %dma_start3A_11 = tpu.memref_slice %arg5[%dma_start3A_10] : memref<1600xi32, #tpu.memory_space<vmem>> -> memref<128xi32, #tpu.memory_space<vmem>>
    %dma_start3A_12 = arith.constant 0 : i32
    %dma_start3A_13 = tpu.memref_slice %arg3[%dma_start3A_12] : memref<1048576xf32, #tpu.memory_space<hbm>> -> memref<1048576xf32, #tpu.memory_space<hbm>>
    tpu.enqueue_indirect_dma source(%dma_start3A_13 : memref<1048576xf32, #tpu.memory_space<hbm>>) target(%dma_start3A_9 : memref<128xf32, #tpu.memory_space<vmem>>) offsets(%dma_start3A_11 : memref<128xi32, #tpu.memory_space<vmem>>) semaphore(%arg8 : memref<!tpu.dma_semaphore, #tpu.memory_space<semaphore_mem>>)
    %dma_start3A_14 = arith.constant 256 : i32
    %dma_start3A_15 = tpu.memref_slice %arg6[%dma_start3A_14] : memref<1600xf32, #tpu.memory_space<vmem>> -> memref<128xf32, #tpu.memory_space<vmem>>
    %dma_start3A_16 = arith.constant 256 : i32
    %dma_start3A_17 = tpu.memref_slice %arg5[%dma_start3A_16] : memref<1600xi32, #tpu.memory_space<vmem>> -> memref<128xi32, #tpu.memory_space<vmem>>
    %dma_start3A_18 = arith.constant 0 : i32
    %dma_start3A_19 = tpu.memref_slice %arg3[%dma_start3A_18] : memref<1048576xf32, #tpu.memory_space<hbm>> -> memref<1048576xf32, #tpu.memory_space<hbm>>
    tpu.enqueue_indirect_dma source(%dma_start3A_19 : memref<1048576xf32, #tpu.memory_space<hbm>>) target(%dma_start3A_15 : memref<128xf32, #tpu.memory_space<vmem>>) offsets(%dma_start3A_17 : memref<128xi32, #tpu.memory_space<vmem>>) semaphore(%arg8 : memref<!tpu.dma_semaphore, #tpu.memory_space<semaphore_mem>>)
    %dma_start3A_20 = arith.constant 384 : i32
    %dma_start3A_21 = tpu.memref_slice %arg6[%dma_start3A_20] : memref<1600xf32, #tpu.memory_space<vmem>> -> memref<128xf32, #tpu.memory_space<vmem>>
    %dma_start3A_22 = arith.constant 384 : i32
    %dma_start3A_23 = tpu.memref_slice %arg5[%dma_start3A_22] : memref<1600xi32, #tpu.memory_space<vmem>> -> memref<128xi32, #tpu.memory_space<vmem>>
    %dma_start3A_24 = arith.constant 0 : i32
    %dma_start3A_25 = tpu.memref_slice %arg3[%dma_start3A_24] : memref<1048576xf32, #tpu.memory_space<hbm>> -> memref<1048576xf32, #tpu.memory_space<hbm>>
    tpu.enqueue_indirect_dma source(%dma_start3A_25 : memref<1048576xf32, #tpu.memory_space<hbm>>) target(%dma_start3A_21 : memref<128xf32, #tpu.memory_space<vmem>>) offsets(%dma_start3A_23 : memref<128xi32, #tpu.memory_space<vmem>>) semaphore(%arg8 : memref<!tpu.dma_semaphore, #tpu.memory_space<semaphore_mem>>)
    %dma_start3A_26 = arith.constant 512 : i32
    %dma_start3A_27 = tpu.memref_slice %arg6[%dma_start3A_26] : memref<1600xf32, #tpu.memory_space<vmem>> -> memref<128xf32, #tpu.memory_space<vmem>>
    %dma_start3A_28 = arith.constant 512 : i32
    %dma_start3A_29 = tpu.memref_slice %arg5[%dma_start3A_28] : memref<1600xi32, #tpu.memory_space<vmem>> -> memref<128xi32, #tpu.memory_space<vmem>>
    %dma_start3A_30 = arith.constant 0 : i32
    %dma_start3A_31 = tpu.memref_slice %arg3[%dma_start3A_30] : memref<1048576xf32, #tpu.memory_space<hbm>> -> memref<1048576xf32, #tpu.memory_space<hbm>>
    tpu.enqueue_indirect_dma source(%dma_start3A_31 : memref<1048576xf32, #tpu.memory_space<hbm>>) target(%dma_start3A_27 : memref<128xf32, #tpu.memory_space<vmem>>) offsets(%dma_start3A_29 : memref<128xi32, #tpu.memory_space<vmem>>) semaphore(%arg8 : memref<!tpu.dma_semaphore, #tpu.memory_space<semaphore_mem>>)
    %dma_start3A_32 = arith.constant 640 : i32
    %dma_start3A_33 = tpu.memref_slice %arg6[%dma_start3A_32] : memref<1600xf32, #tpu.memory_space<vmem>> -> memref<128xf32, #tpu.memory_space<vmem>>
    %dma_start3A_34 = arith.constant 640 : i32
    %dma_start3A_35 = tpu.memref_slice %arg5[%dma_start3A_34] : memref<1600xi32, #tpu.memory_space<vmem>> -> memref<128xi32, #tpu.memory_space<vmem>>
    %dma_start3A_36 = arith.constant 0 : i32
    %dma_start3A_37 = tpu.memref_slice %arg3[%dma_start3A_36] : memref<1048576xf32, #tpu.memory_space<hbm>> -> memref<1048576xf32, #tpu.memory_space<hbm>>
    tpu.enqueue_indirect_dma source(%dma_start3A_37 : memref<1048576xf32, #tpu.memory_space<hbm>>) target(%dma_start3A_33 : memref<128xf32, #tpu.memory_space<vmem>>) offsets(%dma_start3A_35 : memref<128xi32, #tpu.memory_space<vmem>>) semaphore(%arg8 : memref<!tpu.dma_semaphore, #tpu.memory_space<semaphore_mem>>)
    %dma_start3A_38 = arith.constant 768 : i32
    %dma_start3A_39 = tpu.memref_slice %arg6[%dma_start3A_38] : memref<1600xf32, #tpu.memory_space<vmem>> -> memref<128xf32, #tpu.memory_space<vmem>>
    %dma_start3A_40 = arith.constant 768 : i32
    %dma_start3A_41 = tpu.memref_slice %arg5[%dma_start3A_40] : memref<1600xi32, #tpu.memory_space<vmem>> -> memref<128xi32, #tpu.memory_space<vmem>>
    %dma_start3A_42 = arith.constant 0 : i32
    %dma_start3A_43 = tpu.memref_slice %arg3[%dma_start3A_42] : memref<1048576xf32, #tpu.memory_space<hbm>> -> memref<1048576xf32, #tpu.memory_space<hbm>>
    tpu.enqueue_indirect_dma source(%dma_start3A_43 : memref<1048576xf32, #tpu.memory_space<hbm>>) target(%dma_start3A_39 : memref<128xf32, #tpu.memory_space<vmem>>) offsets(%dma_start3A_41 : memref<128xi32, #tpu.memory_space<vmem>>) semaphore(%arg8 : memref<!tpu.dma_semaphore, #tpu.memory_space<semaphore_mem>>)
    %dma_start3A_44 = arith.constant 896 : i32
    %dma_start3A_45 = tpu.memref_slice %arg6[%dma_start3A_44] : memref<1600xf32, #tpu.memory_space<vmem>> -> memref<128xf32, #tpu.memory_space<vmem>>
    %dma_start3A_46 = arith.constant 896 : i32
    %dma_start3A_47 = tpu.memref_slice %arg5[%dma_start3A_46] : memref<1600xi32, #tpu.memory_space<vmem>> -> memref<128xi32, #tpu.memory_space<vmem>>
    %dma_start3A_48 = arith.constant 0 : i32
    %dma_start3A_49 = tpu.memref_slice %arg3[%dma_start3A_48] : memref<1048576xf32, #tpu.memory_space<hbm>> -> memref<1048576xf32, #tpu.memory_space<hbm>>
    tpu.enqueue_indirect_dma source(%dma_start3A_49 : memref<1048576xf32, #tpu.memory_space<hbm>>) target(%dma_start3A_45 : memref<128xf32, #tpu.memory_space<vmem>>) offsets(%dma_start3A_47 : memref<128xi32, #tpu.memory_space<vmem>>) semaphore(%arg8 : memref<!tpu.dma_semaphore, #tpu.memory_space<semaphore_mem>>)
    %dma_start3A_50 = arith.constant 1024 : i32
    %dma_start3A_51 = tpu.memref_slice %arg6[%dma_start3A_50] : memref<1600xf32, #tpu.memory_space<vmem>> -> memref<128xf32, #tpu.memory_space<vmem>>
    %dma_start3A_52 = arith.constant 1024 : i32
    %dma_start3A_53 = tpu.memref_slice %arg5[%dma_start3A_52] : memref<1600xi32, #tpu.memory_space<vmem>> -> memref<128xi32, #tpu.memory_space<vmem>>
    %dma_start3A_54 = arith.constant 0 : i32
    %dma_start3A_55 = tpu.memref_slice %arg3[%dma_start3A_54] : memref<1048576xf32, #tpu.memory_space<hbm>> -> memref<1048576xf32, #tpu.memory_space<hbm>>
    tpu.enqueue_indirect_dma source(%dma_start3A_55 : memref<1048576xf32, #tpu.memory_space<hbm>>) target(%dma_start3A_51 : memref<128xf32, #tpu.memory_space<vmem>>) offsets(%dma_start3A_53 : memref<128xi32, #tpu.memory_space<vmem>>) semaphore(%arg8 : memref<!tpu.dma_semaphore, #tpu.memory_space<semaphore_mem>>)
    %dma_start3A_56 = arith.constant 1152 : i32
    %dma_start3A_57 = tpu.memref_slice %arg6[%dma_start3A_56] : memref<1600xf32, #tpu.memory_space<vmem>> -> memref<128xf32, #tpu.memory_space<vmem>>
    %dma_start3A_58 = arith.constant 1152 : i32
    %dma_start3A_59 = tpu.memref_slice %arg5[%dma_start3A_58] : memref<1600xi32, #tpu.memory_space<vmem>> -> memref<128xi32, #tpu.memory_space<vmem>>
    %dma_start3A_60 = arith.constant 0 : i32
    %dma_start3A_61 = tpu.memref_slice %arg3[%dma_start3A_60] : memref<1048576xf32, #tpu.memory_space<hbm>> -> memref<1048576xf32, #tpu.memory_space<hbm>>
    tpu.enqueue_indirect_dma source(%dma_start3A_61 : memref<1048576xf32, #tpu.memory_space<hbm>>) target(%dma_start3A_57 : memref<128xf32, #tpu.memory_space<vmem>>) offsets(%dma_start3A_59 : memref<128xi32, #tpu.memory_space<vmem>>) semaphore(%arg8 : memref<!tpu.dma_semaphore, #tpu.memory_space<semaphore_mem>>)
    %dma_start3A_62 = arith.constant 1280 : i32
    %dma_start3A_63 = tpu.memref_slice %arg6[%dma_start3A_62] : memref<1600xf32, #tpu.memory_space<vmem>> -> memref<128xf32, #tpu.memory_space<vmem>>
    %dma_start3A_64 = arith.constant 1280 : i32
    %dma_start3A_65 = tpu.memref_slice %arg5[%dma_start3A_64] : memref<1600xi32, #tpu.memory_space<vmem>> -> memref<128xi32, #tpu.memory_space<vmem>>
    %dma_start3A_66 = arith.constant 0 : i32
    %dma_start3A_67 = tpu.memref_slice %arg3[%dma_start3A_66] : memref<1048576xf32, #tpu.memory_space<hbm>> -> memref<1048576xf32, #tpu.memory_space<hbm>>
    tpu.enqueue_indirect_dma source(%dma_start3A_67 : memref<1048576xf32, #tpu.memory_space<hbm>>) target(%dma_start3A_63 : memref<128xf32, #tpu.memory_space<vmem>>) offsets(%dma_start3A_65 : memref<128xi32, #tpu.memory_space<vmem>>) semaphore(%arg8 : memref<!tpu.dma_semaphore, #tpu.memory_space<semaphore_mem>>)
    %dma_start3A_68 = arith.constant 1408 : i32
    %dma_start3A_69 = tpu.memref_slice %arg6[%dma_start3A_68] : memref<1600xf32, #tpu.memory_space<vmem>> -> memref<128xf32, #tpu.memory_space<vmem>>
    %dma_start3A_70 = arith.constant 1408 : i32
    %dma_start3A_71 = tpu.memref_slice %arg5[%dma_start3A_70] : memref<1600xi32, #tpu.memory_space<vmem>> -> memref<128xi32, #tpu.memory_space<vmem>>
    %dma_start3A_72 = arith.constant 0 : i32
    %dma_start3A_73 = tpu.memref_slice %arg3[%dma_start3A_72] : memref<1048576xf32, #tpu.memory_space<hbm>> -> memref<1048576xf32, #tpu.memory_space<hbm>>
    tpu.enqueue_indirect_dma source(%dma_start3A_73 : memref<1048576xf32, #tpu.memory_space<hbm>>) target(%dma_start3A_69 : memref<128xf32, #tpu.memory_space<vmem>>) offsets(%dma_start3A_71 : memref<128xi32, #tpu.memory_space<vmem>>) semaphore(%arg8 : memref<!tpu.dma_semaphore, #tpu.memory_space<semaphore_mem>>)
    %dma_start3A_74 = arith.constant 1536 : i32
    %dma_start3A_75 = tpu.memref_slice %arg6[%dma_start3A_74] : memref<1600xf32, #tpu.memory_space<vmem>> -> memref<64xf32, #tpu.memory_space<vmem>>
    %dma_start3A_76 = arith.constant 1536 : i32
    %dma_start3A_77 = tpu.memref_slice %arg5[%dma_start3A_76] : memref<1600xi32, #tpu.memory_space<vmem>> -> memref<64xi32, #tpu.memory_space<vmem>>
    %dma_start3A_78 = arith.constant 0 : i32
    %dma_start3A_79 = tpu.memref_slice %arg3[%dma_start3A_78] : memref<1048576xf32, #tpu.memory_space<hbm>> -> memref<1048576xf32, #tpu.memory_space<hbm>>
    tpu.enqueue_indirect_dma source(%dma_start3A_79 : memref<1048576xf32, #tpu.memory_space<hbm>>) target(%dma_start3A_75 : memref<64xf32, #tpu.memory_space<vmem>>) offsets(%dma_start3A_77 : memref<64xi32, #tpu.memory_space<vmem>>) semaphore(%arg8 : memref<!tpu.dma_semaphore, #tpu.memory_space<semaphore_mem>>)
    %broadcast_in_dim3A = arith.constant 0.000000e+00 : f32
    %broadcast_in_dim3A_80 = vector.broadcast %broadcast_in_dim3A : f32 to vector<16xf32>
    %dma_wait3A = arith.constant 0 : i32
    %dma_wait3A_81 = tpu.memref_slice %arg6[%dma_wait3A] : memref<1600xf32, #tpu.memory_space<vmem>> -> memref<128xf32, #tpu.memory_space<vmem>>
    %dma_wait3A_82 = arith.constant 0 : i32
    %dma_wait3A_83 = tpu.memref_slice %arg5[%dma_wait3A_82] : memref<1600xi32, #tpu.memory_space<vmem>> -> memref<128xi32, #tpu.memory_space<vmem>>
    %dma_wait3A_84 = arith.constant 0 : i32
    %dma_wait3A_85 = tpu.memref_slice %arg3[%dma_wait3A_84] : memref<1048576xf32, #tpu.memory_space<hbm>> -> memref<1048576xf32, #tpu.memory_space<hbm>>
    tpu.wait_indirect_dma semaphore(%arg8 : memref<!tpu.dma_semaphore, #tpu.memory_space<semaphore_mem>>) src(%dma_wait3A_85 : memref<1048576xf32, #tpu.memory_space<hbm>>) dst(%dma_wait3A_81 : memref<128xf32, #tpu.memory_space<vmem>>)
    %scan3A = arith.constant 0 : i32
    %scan3A_86 = arith.constant 8 : i32
    %scan3A_87 = arith.addi %scan3A, %scan3A_86 : i32
    %scan3A_88 = arith.constant 1 : i32
    %scan3A_89 = scf.for %scan3A_240 = %scan3A to %scan3A_87 step %scan3A_88 iter_args(%scan3A_241 = %broadcast_in_dim3A_80) -> (vector<16xf32>)  : i32 {
      %mul3A_242 = arith.constant 16 : i32
      %mul3A_243 = arith.muli %scan3A_240, %mul3A_242 : i32
      %add3A_244 = arith.constant 0 : i32
      %add3A_245 = arith.addi %add3A_244, %mul3A_243 : i32
      %get3A = arith.index_cast %add3A_245 : i32 to index
      %get3A_246 = tpu.vector_load %arg6[%get3A] {strides = array<i32>} : memref<1600xf32, #tpu.memory_space<vmem>>, vector<16xf32>,
      %get3A_247 = vector.shape_cast %get3A_246 : vector<16xf32> to vector<16xf32>
      %add3A_248 = arith.addf %scan3A_241, %get3A_247 : vector<16xf32>
      scf.yield %add3A_248 : vector<16xf32>
    }
    %scan3A_90 = arith.constant 8 : i32
    %dma_wait3A_91 = arith.constant 128 : i32
    %dma_wait3A_92 = tpu.memref_slice %arg6[%dma_wait3A_91] : memref<1600xf32, #tpu.memory_space<vmem>> -> memref<128xf32, #tpu.memory_space<vmem>>
    %dma_wait3A_93 = arith.constant 128 : i32
    %dma_wait3A_94 = tpu.memref_slice %arg5[%dma_wait3A_93] : memref<1600xi32, #tpu.memory_space<vmem>> -> memref<128xi32, #tpu.memory_space<vmem>>
    %dma_wait3A_95 = arith.constant 0 : i32
    %dma_wait3A_96 = tpu.memref_slice %arg3[%dma_wait3A_95] : memref<1048576xf32, #tpu.memory_space<hbm>> -> memref<1048576xf32, #tpu.memory_space<hbm>>
    tpu.wait_indirect_dma semaphore(%arg8 : memref<!tpu.dma_semaphore, #tpu.memory_space<semaphore_mem>>) src(%dma_wait3A_96 : memref<1048576xf32, #tpu.memory_space<hbm>>) dst(%dma_wait3A_92 : memref<128xf32, #tpu.memory_space<vmem>>)
    %scan3A_97 = arith.constant 0 : i32
    %scan3A_98 = arith.constant 8 : i32
    %scan3A_99 = arith.addi %scan3A_97, %scan3A_98 : i32
    %scan3A_100 = arith.constant 1 : i32
    %scan3A_101 = scf.for %scan3A_240 = %scan3A_97 to %scan3A_99 step %scan3A_100 iter_args(%scan3A_241 = %scan3A_89) -> (vector<16xf32>)  : i32 {
      %mul3A_242 = arith.constant 16 : i32
      %mul3A_243 = arith.muli %scan3A_240, %mul3A_242 : i32
      %add3A_244 = arith.constant 128 : i32
      %add3A_245 = arith.addi %add3A_244, %mul3A_243 : i32
      %get3A = arith.index_cast %add3A_245 : i32 to index
      %get3A_246 = tpu.vector_load %arg6[%get3A] {strides = array<i32>} : memref<1600xf32, #tpu.memory_space<vmem>>, vector<16xf32>,
      %get3A_247 = vector.shape_cast %get3A_246 : vector<16xf32> to vector<16xf32>
      %add3A_248 = arith.addf %scan3A_241, %get3A_247 : vector<16xf32>
      scf.yield %add3A_248 : vector<16xf32>
    }
    %scan3A_102 = arith.constant 8 : i32
    %dma_wait3A_103 = arith.constant 256 : i32
    %dma_wait3A_104 = tpu.memref_slice %arg6[%dma_wait3A_103] : memref<1600xf32, #tpu.memory_space<vmem>> -> memref<128xf32, #tpu.memory_space<vmem>>
    %dma_wait3A_105 = arith.constant 256 : i32
    %dma_wait3A_106 = tpu.memref_slice %arg5[%dma_wait3A_105] : memref<1600xi32, #tpu.memory_space<vmem>> -> memref<128xi32, #tpu.memory_space<vmem>>
    %dma_wait3A_107 = arith.constant 0 : i32
    %dma_wait3A_108 = tpu.memref_slice %arg3[%dma_wait3A_107] : memref<1048576xf32, #tpu.memory_space<hbm>> -> memref<1048576xf32, #tpu.memory_space<hbm>>
    tpu.wait_indirect_dma semaphore(%arg8 : memref<!tpu.dma_semaphore, #tpu.memory_space<semaphore_mem>>) src(%dma_wait3A_108 : memref<1048576xf32, #tpu.memory_space<hbm>>) dst(%dma_wait3A_104 : memref<128xf32, #tpu.memory_space<vmem>>)
    %scan3A_109 = arith.constant 0 : i32
    %scan3A_110 = arith.constant 8 : i32
    %scan3A_111 = arith.addi %scan3A_109, %scan3A_110 : i32
    %scan3A_112 = arith.constant 1 : i32
    %scan3A_113 = scf.for %scan3A_240 = %scan3A_109 to %scan3A_111 step %scan3A_112 iter_args(%scan3A_241 = %scan3A_101) -> (vector<16xf32>)  : i32 {
      %mul3A_242 = arith.constant 16 : i32
      %mul3A_243 = arith.muli %scan3A_240, %mul3A_242 : i32
      %add3A_244 = arith.constant 256 : i32
      %add3A_245 = arith.addi %add3A_244, %mul3A_243 : i32
      %get3A = arith.index_cast %add3A_245 : i32 to index
      %get3A_246 = tpu.vector_load %arg6[%get3A] {strides = array<i32>} : memref<1600xf32, #tpu.memory_space<vmem>>, vector<16xf32>,
      %get3A_247 = vector.shape_cast %get3A_246 : vector<16xf32> to vector<16xf32>
      %add3A_248 = arith.addf %scan3A_241, %get3A_247 : vector<16xf32>
      scf.yield %add3A_248 : vector<16xf32>
    }
    %scan3A_114 = arith.constant 8 : i32
    %dma_wait3A_115 = arith.constant 384 : i32
    %dma_wait3A_116 = tpu.memref_slice %arg6[%dma_wait3A_115] : memref<1600xf32, #tpu.memory_space<vmem>> -> memref<128xf32, #tpu.memory_space<vmem>>
    %dma_wait3A_117 = arith.constant 384 : i32
    %dma_wait3A_118 = tpu.memref_slice %arg5[%dma_wait3A_117] : memref<1600xi32, #tpu.memory_space<vmem>> -> memref<128xi32, #tpu.memory_space<vmem>>
    %dma_wait3A_119 = arith.constant 0 : i32
    %dma_wait3A_120 = tpu.memref_slice %arg3[%dma_wait3A_119] : memref<1048576xf32, #tpu.memory_space<hbm>> -> memref<1048576xf32, #tpu.memory_space<hbm>>
    tpu.wait_indirect_dma semaphore(%arg8 : memref<!tpu.dma_semaphore, #tpu.memory_space<semaphore_mem>>) src(%dma_wait3A_120 : memref<1048576xf32, #tpu.memory_space<hbm>>) dst(%dma_wait3A_116 : memref<128xf32, #tpu.memory_space<vmem>>)
    %scan3A_121 = arith.constant 0 : i32
    %scan3A_122 = arith.constant 8 : i32
    %scan3A_123 = arith.addi %scan3A_121, %scan3A_122 : i32
    %scan3A_124 = arith.constant 1 : i32
    %scan3A_125 = scf.for %scan3A_240 = %scan3A_121 to %scan3A_123 step %scan3A_124 iter_args(%scan3A_241 = %scan3A_113) -> (vector<16xf32>)  : i32 {
      %mul3A_242 = arith.constant 16 : i32
      %mul3A_243 = arith.muli %scan3A_240, %mul3A_242 : i32
      %add3A_244 = arith.constant 384 : i32
      %add3A_245 = arith.addi %add3A_244, %mul3A_243 : i32
      %get3A = arith.index_cast %add3A_245 : i32 to index
      %get3A_246 = tpu.vector_load %arg6[%get3A] {strides = array<i32>} : memref<1600xf32, #tpu.memory_space<vmem>>, vector<16xf32>,
      %get3A_247 = vector.shape_cast %get3A_246 : vector<16xf32> to vector<16xf32>
      %add3A_248 = arith.addf %scan3A_241, %get3A_247 : vector<16xf32>
      scf.yield %add3A_248 : vector<16xf32>
    }
    %scan3A_126 = arith.constant 8 : i32
    %dma_wait3A_127 = arith.constant 512 : i32
    %dma_wait3A_128 = tpu.memref_slice %arg6[%dma_wait3A_127] : memref<1600xf32, #tpu.memory_space<vmem>> -> memref<128xf32, #tpu.memory_space<vmem>>
    %dma_wait3A_129 = arith.constant 512 : i32
    %dma_wait3A_130 = tpu.memref_slice %arg5[%dma_wait3A_129] : memref<1600xi32, #tpu.memory_space<vmem>> -> memref<128xi32, #tpu.memory_space<vmem>>
    %dma_wait3A_131 = arith.constant 0 : i32
    %dma_wait3A_132 = tpu.memref_slice %arg3[%dma_wait3A_131] : memref<1048576xf32, #tpu.memory_space<hbm>> -> memref<1048576xf32, #tpu.memory_space<hbm>>
    tpu.wait_indirect_dma semaphore(%arg8 : memref<!tpu.dma_semaphore, #tpu.memory_space<semaphore_mem>>) src(%dma_wait3A_132 : memref<1048576xf32, #tpu.memory_space<hbm>>) dst(%dma_wait3A_128 : memref<128xf32, #tpu.memory_space<vmem>>)
    %scan3A_133 = arith.constant 0 : i32
    %scan3A_134 = arith.constant 8 : i32
    %scan3A_135 = arith.addi %scan3A_133, %scan3A_134 : i32
    %scan3A_136 = arith.constant 1 : i32
    %scan3A_137 = scf.for %scan3A_240 = %scan3A_133 to %scan3A_135 step %scan3A_136 iter_args(%scan3A_241 = %scan3A_125) -> (vector<16xf32>)  : i32 {
      %mul3A_242 = arith.constant 16 : i32
      %mul3A_243 = arith.muli %scan3A_240, %mul3A_242 : i32
      %add3A_244 = arith.constant 512 : i32
      %add3A_245 = arith.addi %add3A_244, %mul3A_243 : i32
      %get3A = arith.index_cast %add3A_245 : i32 to index
      %get3A_246 = tpu.vector_load %arg6[%get3A] {strides = array<i32>} : memref<1600xf32, #tpu.memory_space<vmem>>, vector<16xf32>,
      %get3A_247 = vector.shape_cast %get3A_246 : vector<16xf32> to vector<16xf32>
      %add3A_248 = arith.addf %scan3A_241, %get3A_247 : vector<16xf32>
      scf.yield %add3A_248 : vector<16xf32>
    }
    %scan3A_138 = arith.constant 8 : i32
    %dma_wait3A_139 = arith.constant 640 : i32
    %dma_wait3A_140 = tpu.memref_slice %arg6[%dma_wait3A_139] : memref<1600xf32, #tpu.memory_space<vmem>> -> memref<128xf32, #tpu.memory_space<vmem>>
    %dma_wait3A_141 = arith.constant 640 : i32
    %dma_wait3A_142 = tpu.memref_slice %arg5[%dma_wait3A_141] : memref<1600xi32, #tpu.memory_space<vmem>> -> memref<128xi32, #tpu.memory_space<vmem>>
    %dma_wait3A_143 = arith.constant 0 : i32
    %dma_wait3A_144 = tpu.memref_slice %arg3[%dma_wait3A_143] : memref<1048576xf32, #tpu.memory_space<hbm>> -> memref<1048576xf32, #tpu.memory_space<hbm>>
    tpu.wait_indirect_dma semaphore(%arg8 : memref<!tpu.dma_semaphore, #tpu.memory_space<semaphore_mem>>) src(%dma_wait3A_144 : memref<1048576xf32, #tpu.memory_space<hbm>>) dst(%dma_wait3A_140 : memref<128xf32, #tpu.memory_space<vmem>>)
    %scan3A_145 = arith.constant 0 : i32
    %scan3A_146 = arith.constant 8 : i32
    %scan3A_147 = arith.addi %scan3A_145, %scan3A_146 : i32
    %scan3A_148 = arith.constant 1 : i32
    %scan3A_149 = scf.for %scan3A_240 = %scan3A_145 to %scan3A_147 step %scan3A_148 iter_args(%scan3A_241 = %scan3A_137) -> (vector<16xf32>)  : i32 {
      %mul3A_242 = arith.constant 16 : i32
      %mul3A_243 = arith.muli %scan3A_240, %mul3A_242 : i32
      %add3A_244 = arith.constant 640 : i32
      %add3A_245 = arith.addi %add3A_244, %mul3A_243 : i32
      %get3A = arith.index_cast %add3A_245 : i32 to index
      %get3A_246 = tpu.vector_load %arg6[%get3A] {strides = array<i32>} : memref<1600xf32, #tpu.memory_space<vmem>>, vector<16xf32>,
      %get3A_247 = vector.shape_cast %get3A_246 : vector<16xf32> to vector<16xf32>
      %add3A_248 = arith.addf %scan3A_241, %get3A_247 : vector<16xf32>
      scf.yield %add3A_248 : vector<16xf32>
    }
    %scan3A_150 = arith.constant 8 : i32
    %dma_wait3A_151 = arith.constant 768 : i32
    %dma_wait3A_152 = tpu.memref_slice %arg6[%dma_wait3A_151] : memref<1600xf32, #tpu.memory_space<vmem>> -> memref<128xf32, #tpu.memory_space<vmem>>
    %dma_wait3A_153 = arith.constant 768 : i32
    %dma_wait3A_154 = tpu.memref_slice %arg5[%dma_wait3A_153] : memref<1600xi32, #tpu.memory_space<vmem>> -> memref<128xi32, #tpu.memory_space<vmem>>
    %dma_wait3A_155 = arith.constant 0 : i32
    %dma_wait3A_156 = tpu.memref_slice %arg3[%dma_wait3A_155] : memref<1048576xf32, #tpu.memory_space<hbm>> -> memref<1048576xf32, #tpu.memory_space<hbm>>
    tpu.wait_indirect_dma semaphore(%arg8 : memref<!tpu.dma_semaphore, #tpu.memory_space<semaphore_mem>>) src(%dma_wait3A_156 : memref<1048576xf32, #tpu.memory_space<hbm>>) dst(%dma_wait3A_152 : memref<128xf32, #tpu.memory_space<vmem>>)
    %scan3A_157 = arith.constant 0 : i32
    %scan3A_158 = arith.constant 8 : i32
    %scan3A_159 = arith.addi %scan3A_157, %scan3A_158 : i32
    %scan3A_160 = arith.constant 1 : i32
    %scan3A_161 = scf.for %scan3A_240 = %scan3A_157 to %scan3A_159 step %scan3A_160 iter_args(%scan3A_241 = %scan3A_149) -> (vector<16xf32>)  : i32 {
      %mul3A_242 = arith.constant 16 : i32
      %mul3A_243 = arith.muli %scan3A_240, %mul3A_242 : i32
      %add3A_244 = arith.constant 768 : i32
      %add3A_245 = arith.addi %add3A_244, %mul3A_243 : i32
      %get3A = arith.index_cast %add3A_245 : i32 to index
      %get3A_246 = tpu.vector_load %arg6[%get3A] {strides = array<i32>} : memref<1600xf32, #tpu.memory_space<vmem>>, vector<16xf32>,
      %get3A_247 = vector.shape_cast %get3A_246 : vector<16xf32> to vector<16xf32>
      %add3A_248 = arith.addf %scan3A_241, %get3A_247 : vector<16xf32>
      scf.yield %add3A_248 : vector<16xf32>
    }
    %scan3A_162 = arith.constant 8 : i32
    %dma_wait3A_163 = arith.constant 896 : i32
    %dma_wait3A_164 = tpu.memref_slice %arg6[%dma_wait3A_163] : memref<1600xf32, #tpu.memory_space<vmem>> -> memref<128xf32, #tpu.memory_space<vmem>>
    %dma_wait3A_165 = arith.constant 896 : i32
    %dma_wait3A_166 = tpu.memref_slice %arg5[%dma_wait3A_165] : memref<1600xi32, #tpu.memory_space<vmem>> -> memref<128xi32, #tpu.memory_space<vmem>>
    %dma_wait3A_167 = arith.constant 0 : i32
    %dma_wait3A_168 = tpu.memref_slice %arg3[%dma_wait3A_167] : memref<1048576xf32, #tpu.memory_space<hbm>> -> memref<1048576xf32, #tpu.memory_space<hbm>>
    tpu.wait_indirect_dma semaphore(%arg8 : memref<!tpu.dma_semaphore, #tpu.memory_space<semaphore_mem>>) src(%dma_wait3A_168 : memref<1048576xf32, #tpu.memory_space<hbm>>) dst(%dma_wait3A_164 : memref<128xf32, #tpu.memory_space<vmem>>)
    %scan3A_169 = arith.constant 0 : i32
    %scan3A_170 = arith.constant 8 : i32
    %scan3A_171 = arith.addi %scan3A_169, %scan3A_170 : i32
    %scan3A_172 = arith.constant 1 : i32
    %scan3A_173 = scf.for %scan3A_240 = %scan3A_169 to %scan3A_171 step %scan3A_172 iter_args(%scan3A_241 = %scan3A_161) -> (vector<16xf32>)  : i32 {
      %mul3A_242 = arith.constant 16 : i32
      %mul3A_243 = arith.muli %scan3A_240, %mul3A_242 : i32
      %add3A_244 = arith.constant 896 : i32
      %add3A_245 = arith.addi %add3A_244, %mul3A_243 : i32
      %get3A = arith.index_cast %add3A_245 : i32 to index
      %get3A_246 = tpu.vector_load %arg6[%get3A] {strides = array<i32>} : memref<1600xf32, #tpu.memory_space<vmem>>, vector<16xf32>,
      %get3A_247 = vector.shape_cast %get3A_246 : vector<16xf32> to vector<16xf32>
      %add3A_248 = arith.addf %scan3A_241, %get3A_247 : vector<16xf32>
      scf.yield %add3A_248 : vector<16xf32>
    }
    %scan3A_174 = arith.constant 8 : i32
    %dma_wait3A_175 = arith.constant 1024 : i32
    %dma_wait3A_176 = tpu.memref_slice %arg6[%dma_wait3A_175] : memref<1600xf32, #tpu.memory_space<vmem>> -> memref<128xf32, #tpu.memory_space<vmem>>
    %dma_wait3A_177 = arith.constant 1024 : i32
    %dma_wait3A_178 = tpu.memref_slice %arg5[%dma_wait3A_177] : memref<1600xi32, #tpu.memory_space<vmem>> -> memref<128xi32, #tpu.memory_space<vmem>>
    %dma_wait3A_179 = arith.constant 0 : i32
    %dma_wait3A_180 = tpu.memref_slice %arg3[%dma_wait3A_179] : memref<1048576xf32, #tpu.memory_space<hbm>> -> memref<1048576xf32, #tpu.memory_space<hbm>>
    tpu.wait_indirect_dma semaphore(%arg8 : memref<!tpu.dma_semaphore, #tpu.memory_space<semaphore_mem>>) src(%dma_wait3A_180 : memref<1048576xf32, #tpu.memory_space<hbm>>) dst(%dma_wait3A_176 : memref<128xf32, #tpu.memory_space<vmem>>)
    %scan3A_181 = arith.constant 0 : i32
    %scan3A_182 = arith.constant 8 : i32
    %scan3A_183 = arith.addi %scan3A_181, %scan3A_182 : i32
    %scan3A_184 = arith.constant 1 : i32
    %scan3A_185 = scf.for %scan3A_240 = %scan3A_181 to %scan3A_183 step %scan3A_184 iter_args(%scan3A_241 = %scan3A_173) -> (vector<16xf32>)  : i32 {
      %mul3A_242 = arith.constant 16 : i32
      %mul3A_243 = arith.muli %scan3A_240, %mul3A_242 : i32
      %add3A_244 = arith.constant 1024 : i32
      %add3A_245 = arith.addi %add3A_244, %mul3A_243 : i32
      %get3A = arith.index_cast %add3A_245 : i32 to index
      %get3A_246 = tpu.vector_load %arg6[%get3A] {strides = array<i32>} : memref<1600xf32, #tpu.memory_space<vmem>>, vector<16xf32>,
      %get3A_247 = vector.shape_cast %get3A_246 : vector<16xf32> to vector<16xf32>
      %add3A_248 = arith.addf %scan3A_241, %get3A_247 : vector<16xf32>
      scf.yield %add3A_248 : vector<16xf32>
    }
    %scan3A_186 = arith.constant 8 : i32
    %dma_wait3A_187 = arith.constant 1152 : i32
    %dma_wait3A_188 = tpu.memref_slice %arg6[%dma_wait3A_187] : memref<1600xf32, #tpu.memory_space<vmem>> -> memref<128xf32, #tpu.memory_space<vmem>>
    %dma_wait3A_189 = arith.constant 1152 : i32
    %dma_wait3A_190 = tpu.memref_slice %arg5[%dma_wait3A_189] : memref<1600xi32, #tpu.memory_space<vmem>> -> memref<128xi32, #tpu.memory_space<vmem>>
    %dma_wait3A_191 = arith.constant 0 : i32
    %dma_wait3A_192 = tpu.memref_slice %arg3[%dma_wait3A_191] : memref<1048576xf32, #tpu.memory_space<hbm>> -> memref<1048576xf32, #tpu.memory_space<hbm>>
    tpu.wait_indirect_dma semaphore(%arg8 : memref<!tpu.dma_semaphore, #tpu.memory_space<semaphore_mem>>) src(%dma_wait3A_192 : memref<1048576xf32, #tpu.memory_space<hbm>>) dst(%dma_wait3A_188 : memref<128xf32, #tpu.memory_space<vmem>>)
    %scan3A_193 = arith.constant 0 : i32
    %scan3A_194 = arith.constant 8 : i32
    %scan3A_195 = arith.addi %scan3A_193, %scan3A_194 : i32
    %scan3A_196 = arith.constant 1 : i32
    %scan3A_197 = scf.for %scan3A_240 = %scan3A_193 to %scan3A_195 step %scan3A_196 iter_args(%scan3A_241 = %scan3A_185) -> (vector<16xf32>)  : i32 {
      %mul3A_242 = arith.constant 16 : i32
      %mul3A_243 = arith.muli %scan3A_240, %mul3A_242 : i32
      %add3A_244 = arith.constant 1152 : i32
      %add3A_245 = arith.addi %add3A_244, %mul3A_243 : i32
      %get3A = arith.index_cast %add3A_245 : i32 to index
      %get3A_246 = tpu.vector_load %arg6[%get3A] {strides = array<i32>} : memref<1600xf32, #tpu.memory_space<vmem>>, vector<16xf32>,
      %get3A_247 = vector.shape_cast %get3A_246 : vector<16xf32> to vector<16xf32>
      %add3A_248 = arith.addf %scan3A_241, %get3A_247 : vector<16xf32>
      scf.yield %add3A_248 : vector<16xf32>
    }
    %scan3A_198 = arith.constant 8 : i32
    %dma_wait3A_199 = arith.constant 1280 : i32
    %dma_wait3A_200 = tpu.memref_slice %arg6[%dma_wait3A_199] : memref<1600xf32, #tpu.memory_space<vmem>> -> memref<128xf32, #tpu.memory_space<vmem>>
    %dma_wait3A_201 = arith.constant 1280 : i32
    %dma_wait3A_202 = tpu.memref_slice %arg5[%dma_wait3A_201] : memref<1600xi32, #tpu.memory_space<vmem>> -> memref<128xi32, #tpu.memory_space<vmem>>
    %dma_wait3A_203 = arith.constant 0 : i32
    %dma_wait3A_204 = tpu.memref_slice %arg3[%dma_wait3A_203] : memref<1048576xf32, #tpu.memory_space<hbm>> -> memref<1048576xf32, #tpu.memory_space<hbm>>
    tpu.wait_indirect_dma semaphore(%arg8 : memref<!tpu.dma_semaphore, #tpu.memory_space<semaphore_mem>>) src(%dma_wait3A_204 : memref<1048576xf32, #tpu.memory_space<hbm>>) dst(%dma_wait3A_200 : memref<128xf32, #tpu.memory_space<vmem>>)
    %scan3A_205 = arith.constant 0 : i32
    %scan3A_206 = arith.constant 8 : i32
    %scan3A_207 = arith.addi %scan3A_205, %scan3A_206 : i32
    %scan3A_208 = arith.constant 1 : i32
    %scan3A_209 = scf.for %scan3A_240 = %scan3A_205 to %scan3A_207 step %scan3A_208 iter_args(%scan3A_241 = %scan3A_197) -> (vector<16xf32>)  : i32 {
      %mul3A_242 = arith.constant 16 : i32
      %mul3A_243 = arith.muli %scan3A_240, %mul3A_242 : i32
      %add3A_244 = arith.constant 1280 : i32
      %add3A_245 = arith.addi %add3A_244, %mul3A_243 : i32
      %get3A = arith.index_cast %add3A_245 : i32 to index
      %get3A_246 = tpu.vector_load %arg6[%get3A] {strides = array<i32>} : memref<1600xf32, #tpu.memory_space<vmem>>, vector<16xf32>,
      %get3A_247 = vector.shape_cast %get3A_246 : vector<16xf32> to vector<16xf32>
      %add3A_248 = arith.addf %scan3A_241, %get3A_247 : vector<16xf32>
      scf.yield %add3A_248 : vector<16xf32>
    }
    %scan3A_210 = arith.constant 8 : i32
    %dma_wait3A_211 = arith.constant 1408 : i32
    %dma_wait3A_212 = tpu.memref_slice %arg6[%dma_wait3A_211] : memref<1600xf32, #tpu.memory_space<vmem>> -> memref<128xf32, #tpu.memory_space<vmem>>
    %dma_wait3A_213 = arith.constant 1408 : i32
    %dma_wait3A_214 = tpu.memref_slice %arg5[%dma_wait3A_213] : memref<1600xi32, #tpu.memory_space<vmem>> -> memref<128xi32, #tpu.memory_space<vmem>>
    %dma_wait3A_215 = arith.constant 0 : i32
    %dma_wait3A_216 = tpu.memref_slice %arg3[%dma_wait3A_215] : memref<1048576xf32, #tpu.memory_space<hbm>> -> memref<1048576xf32, #tpu.memory_space<hbm>>
    tpu.wait_indirect_dma semaphore(%arg8 : memref<!tpu.dma_semaphore, #tpu.memory_space<semaphore_mem>>) src(%dma_wait3A_216 : memref<1048576xf32, #tpu.memory_space<hbm>>) dst(%dma_wait3A_212 : memref<128xf32, #tpu.memory_space<vmem>>)
    %scan3A_217 = arith.constant 0 : i32
    %scan3A_218 = arith.constant 8 : i32
    %scan3A_219 = arith.addi %scan3A_217, %scan3A_218 : i32
    %scan3A_220 = arith.constant 1 : i32
    %scan3A_221 = scf.for %scan3A_240 = %scan3A_217 to %scan3A_219 step %scan3A_220 iter_args(%scan3A_241 = %scan3A_209) -> (vector<16xf32>)  : i32 {
      %mul3A_242 = arith.constant 16 : i32
      %mul3A_243 = arith.muli %scan3A_240, %mul3A_242 : i32
      %add3A_244 = arith.constant 1408 : i32
      %add3A_245 = arith.addi %add3A_244, %mul3A_243 : i32
      %get3A = arith.index_cast %add3A_245 : i32 to index
      %get3A_246 = tpu.vector_load %arg6[%get3A] {strides = array<i32>} : memref<1600xf32, #tpu.memory_space<vmem>>, vector<16xf32>,
      %get3A_247 = vector.shape_cast %get3A_246 : vector<16xf32> to vector<16xf32>
      %add3A_248 = arith.addf %scan3A_241, %get3A_247 : vector<16xf32>
      scf.yield %add3A_248 : vector<16xf32>
    }
    %scan3A_222 = arith.constant 8 : i32
    %dma_wait3A_223 = arith.constant 1536 : i32
    %dma_wait3A_224 = tpu.memref_slice %arg6[%dma_wait3A_223] : memref<1600xf32, #tpu.memory_space<vmem>> -> memref<64xf32, #tpu.memory_space<vmem>>
    %dma_wait3A_225 = arith.constant 1536 : i32
    %dma_wait3A_226 = tpu.memref_slice %arg5[%dma_wait3A_225] : memref<1600xi32, #tpu.memory_space<vmem>> -> memref<64xi32, #tpu.memory_space<vmem>>
    %dma_wait3A_227 = arith.constant 0 : i32
    %dma_wait3A_228 = tpu.memref_slice %arg3[%dma_wait3A_227] : memref<1048576xf32, #tpu.memory_space<hbm>> -> memref<1048576xf32, #tpu.memory_space<hbm>>
    tpu.wait_indirect_dma semaphore(%arg8 : memref<!tpu.dma_semaphore, #tpu.memory_space<semaphore_mem>>) src(%dma_wait3A_228 : memref<1048576xf32, #tpu.memory_space<hbm>>) dst(%dma_wait3A_224 : memref<64xf32, #tpu.memory_space<vmem>>)
    %scan3A_229 = arith.constant 0 : i32
    %scan3A_230 = arith.constant 4 : i32
    %scan3A_231 = arith.addi %scan3A_229, %scan3A_230 : i32
    %scan3A_232 = arith.constant 1 : i32
    %scan3A_233 = scf.for %scan3A_240 = %scan3A_229 to %scan3A_231 step %scan3A_232 iter_args(%scan3A_241 = %scan3A_221) -> (vector<16xf32>)  : i32 {
      %mul3A_242 = arith.constant 16 : i32
      %mul3A_243 = arith.muli %scan3A_240, %mul3A_242 : i32
      %add3A_244 = arith.constant 1536 : i32
      %add3A_245 = arith.addi %add3A_244, %mul3A_243 : i32
      %get3A = arith.index_cast %add3A_245 : i32 to index
      %get3A_246 = tpu.vector_load %arg6[%get3A] {strides = array<i32>} : memref<1600xf32, #tpu.memory_space<vmem>>, vector<16xf32>,
      %get3A_247 = vector.shape_cast %get3A_246 : vector<16xf32> to vector<16xf32>
      %add3A_248 = arith.addf %scan3A_241, %get3A_247 : vector<16xf32>
      scf.yield %add3A_248 : vector<16xf32>
    }
    %scan3A_234 = arith.constant 4 : i32
    %swap3A = arith.constant 0 : index
    %swap3A_235 = tpu.vector_load %arg7[%swap3A] {strides = array<i32>} : memref<16xf32, #tpu.memory_space<vmem>>, vector<16xf32>,
    %swap3A_236 = vector.shape_cast %swap3A_235 : vector<16xf32> to vector<16xf32>
    %swap3A_237 = vector.shape_cast %scan3A_233 : vector<16xf32> to vector<16xf32>
    tpu.vector_store %arg7[%swap3A], %swap3A_237 {strides = array<i32>} : memref<16xf32, #tpu.memory_space<vmem>>, vector<16xf32>,
    %mul3A_238 = arith.constant 16 : i32
    %mul3A_239 = arith.muli %add3A, %mul3A_238 : i32
    "tpu.region"() ({
      %run_scoped3A = tpu.sem_alloc : memref<!tpu.dma_semaphore, #tpu.memory_space<semaphore_mem>>
      %dma_start3A_240 = tpu.memref_slice %arg4[%mul3A_239] : memref<512xf32, #tpu.memory_space<hbm>> -> memref<16xf32, #tpu.memory_space<hbm>>
      %dma_start3A_241 = tpu.memref_slice %arg4[%mul3A_239] : memref<512xf32, #tpu.memory_space<hbm>> -> memref<16xf32, #tpu.memory_space<hbm>>
      tpu.enqueue_dma source(%arg7 : memref<16xf32, #tpu.memory_space<vmem>>) target(%dma_start3A_241 : memref<16xf32, #tpu.memory_space<hbm>>) target_semaphore(%run_scoped3A : memref<!tpu.dma_semaphore, #tpu.memory_space<semaphore_mem>>)
      %dma_wait3A_242 = tpu.memref_slice %arg4[%mul3A_239] : memref<512xf32, #tpu.memory_space<hbm>> -> memref<16xf32, #tpu.memory_space<hbm>>
      %dma_wait3A_243 = tpu.memref_slice %arg4[%mul3A_239] : memref<512xf32, #tpu.memory_space<hbm>> -> memref<16xf32, #tpu.memory_space<hbm>>
      tpu.wait_dma2 semaphore(%run_scoped3A : memref<!tpu.dma_semaphore, #tpu.memory_space<semaphore_mem>>) src(%arg7 : memref<16xf32, #tpu.memory_space<vmem>>) dst(%dma_wait3A_243 : memref<16xf32, #tpu.memory_space<hbm>>)
      tpu.yield
    }) : () -> ()
    return
  }
}

module attributes {stable_mosaic.version = 14 : i64} {
  func.func @_adj_body(%arg0: i32, %arg1: memref<256x1000xf32, #tpu.memory_space<vmem>>, %arg2: memref<2048x128xf32, #tpu.memory_space<vmem>>) attributes {dimension_semantics = [#tpu.dimension_semantics<arbitrary>], iteration_bounds = array<i64: 4>, scalar_prefetch = 0 : i64, scratch_operands = 0 : i64, tpu.core_type = #tpu.core_type<tc>, window_params = [{transform_indices = @transform_0, window_bounds = array<i64: 256, 1000>}, {transform_indices = @transform_1, window_bounds = array<i64: 2048, 128>}]} {
    %get3A = arith.constant 0 : index
    %get3A_0 = arith.constant 0 : index
    %get3A_1 = vector.load %arg1[%get3A, %get3A_0] : memref<256x1000xf32, #tpu.memory_space<vmem>>, vector<256x1000xf32>
    %exp3A = math.exp %get3A_1 : vector<256x1000xf32>
    %reduce_sum3A = arith.constant dense<0.000000e+00> : vector<256xf32>
    %reduce_sum3A_2 = vector.multi_reduction <add>, %exp3A, %reduce_sum3A [1] : vector<256x1000xf32> to vector<256xf32>
    %log3A = math.log %reduce_sum3A_2 : vector<256xf32>
    %broadcast_in_dim3A = vector.shape_cast %log3A : vector<256xf32> to vector<256x1xf32>
    %sub3A = vector.broadcast %broadcast_in_dim3A : vector<256x1xf32> to vector<256x1000xf32>
    %sub3A_3 = arith.subf %sub3A, %get3A_1 : vector<256x1000xf32>
    %broadcast_in_dim3A_4 = arith.constant 0.000000e+00 : f32
    %broadcast_in_dim3A_5 = vector.broadcast %broadcast_in_dim3A_4 : f32 to vector<256x24xf32>
    %concatenate3A = tpu.concatenate %sub3A_3, %broadcast_in_dim3A_5 in 1 : vector<256x1000xf32>, vector<256x24xf32> -> vector<256x1024xf32>
    %reshape3A = vector.shape_cast %concatenate3A : vector<256x1024xf32> to vector<2048x128xf32>
    %swap3A = arith.constant 0 : index
    %swap3A_6 = arith.constant 0 : index
    %swap3A_7 = vector.load %arg2[%swap3A, %swap3A_6] : memref<2048x128xf32, #tpu.memory_space<vmem>>, vector<2048x128xf32>
    tpu.vector_store %arg2[%swap3A, %swap3A_6], %reshape3A {strides = array<i32>} : memref<2048x128xf32, #tpu.memory_space<vmem>>, vector<2048x128xf32>,
    return
  }
  func.func @transform_0(%arg0: i32) -> (i32, i32) {
    %c0_i32 = arith.constant 0 : i32
    %c0_i32_0 = arith.constant 0 : i32
    return %arg0, %c0_i32 : i32, i32
  }
  func.func @transform_1(%arg0: i32) -> (i32, i32) {
    %c0_i32 = arith.constant 0 : i32
    %c0_i32_0 = arith.constant 0 : i32
    return %arg0, %c0_i32 : i32, i32
  }
}

module attributes {stable_mosaic.version = 14 : i64} {
  func.func @_final_body(%arg0: memref<512xf32, #tpu.memory_space<vmem>>, %arg1: memref<1x1xf32, #tpu.memory_space<smem>>) attributes {dimension_semantics = [], scalar_prefetch = 0 : i64, scratch_operands = 0 : i64, tpu.core_type = #tpu.core_type<tc>} {
    %get3A = arith.constant 0 : index
    %get3A_0 = vector.load %arg0[%get3A] : memref<512xf32, #tpu.memory_space<vmem>>, vector<512xf32>
    %reduce_sum3A = vector.shape_cast %get3A_0 : vector<512xf32> to vector<1x512xf32>
    %reduce_sum3A_1 = arith.constant dense<0.000000e+00> : vector<1xf32>
    %reduce_sum3A_2 = vector.multi_reduction <add>, %reduce_sum3A, %reduce_sum3A_1 [1] : vector<1x512xf32> to vector<1xf32>
    %reduce_sum3A_3 = vector.shape_cast %reduce_sum3A_2 : vector<1xf32> to vector<1x1xf32>
    %reduce_sum3A_4 = vector.extract %reduce_sum3A_3[0, 0] : f32 from vector<1x1xf32>
    %mul3A = arith.constant 1.95312496E-5 : f32
    %mul3A_5 = arith.mulf %reduce_sum3A_4, %mul3A : f32
    %swap3A = arith.constant 0 : index
    %swap3A_6 = arith.constant 0 : index
    %swap3A_7 = memref.load %arg1[%swap3A, %swap3A_6] : memref<1x1xf32, #tpu.memory_space<smem>>
    memref.store %mul3A_5, %arg1[%swap3A, %swap3A_6] : memref<1x1xf32, #tpu.memory_space<smem>>
    return
  }
}

</mosaic_0001>

<sc_bundles>
// kernel: kernel.5.cloned.1.call-start
scs
__scs_entry_jumppad:
0x0: {  	(pc) =	sbr.rel $0x88, $3  }
0x1: {  	(tag) =	ssettag $0x0;
	lr =	simm.s32 $0x1  }
0x2: {  	[smem:$0x3F9E] =	sst lr;
	_ =	strace $0xD0000000  }
0x3: {  	_ = 	snop  }
0x4: {  	_ = 	snop  }
0x5: {  	_ = 	snop  }
0x6: {  	_ = 	snop  }
0x7: {  	_ = 	snop  }
__scs_overlays_trampoline_lowered:
0x8: {  	[smem:$0x3FAD] =	sst s0  }
0x9: {  	[smem:$0x3FAE] =	sst s1  }
0xa: {  	[smem:$0x3FAF] =	sst s2  }
0xb: {  	[smem:$0x3FB0] =	sst s3  }
0xc: {  	[smem:$0x3FB1] =	sst s4  }
0xd: {  	[smem:$0x3FB2] =	sst s5  }
0xe: {  	[smem:$0x3FB3] =	sst s6  }
0xf: {  	[smem:$0x3FB4] =	sst s7  }
0x10: {  	[smem:$0x3FB5] =	sst s8  }
0x11: {  	[smem:$0x3FB6] =	sst s9;
	s0 =	simm.s32 @!p0 $0x0  }
0x12: {  	s1 =	sld [smem:$0x3F9C];
	s0 =	simm.s32 @p0 $0x1  }
0x13: {  	[smem:$0x3FB7] =	sst s0;
	s0 =	simm.s32 @!p1 $0x0  }
0x14: {  	s2 =	sld [smem:$0x3F9B];
	s0 =	simm.s32 @p1 $0x1  }
0x15: {  	[smem:$0x3FB8] =	sst s0;
	s0 =	simm.s32 @!p2 $0x0  }
0x16: {  	s3 =	sld [smem:$0x3FDB];
	s0 =	simm.s32 @p2 $0x1  }
0x17: {  	s4 =	simm.s32 $0x1BF5;
	[smem:$0x3FBA] =	sst s0  }
0x18: {  	s0 =	sld [smem:$0x3F9D];
	_ =	swait.ge [sflag:s4], $0x0  }
0x19: {  	s7 =	sld [smem:$0x3F9E]  }
0x1a: {  	s8 =	sadd.s32 $0xFFFFE003, lr  }
0x1b: {  	s9 =	sadd.s32 $0xFFFFFEF7, lr;
	s5 =	simm.s32 $0xFFFFFFFF;
	p2 =	slt.u32 s8, $0xFFFFF086  }
0x1c: {  	p1 =	slt.u32 s9, $0xF7A;
	s5 =	simm.s32 @!p2 $0x0  }
0x1d: {  	s5 =	simm.s32 @p1 $0x1;
	p0 =	seq.s32 s7, s2  }
0x1e: {  	s7 =	smul.u32 @!p0 $0xF7A, s2;
	p2 =	seq.s32 @!p0 s5, $0x0  }
0x1f: {  	s9 =	smul.u32 $0xF7A, s1;
	s8 =	simm.s32 @!p0 $0x1BF5;
	p2 =	por !p2, p0  }
0x20: {  	[sflag:s8] =	ssyncset.s32 @!p0 $0xFFFFF086;
	s6 =	sadd.s32 @!p0 s3, s7;
	s7 =	simm.s32 @!p0 $0x108  }
0x21: {  	s3 =	sadd.s32 s3, s9;
	s6 =	sadd.s32 @!p0 $0x88, s6;
	s7 =	simm.s32 @p2 $0x1082  }
0x22: {  	[simem:s7], [sflag:s8] =	dma.local @!p0 [hbm:s6], $0xF7A  }
0x23: {  	s9 =	sor.u32 $0xD0000000, s2;
	s6 =	simm.s32 $0x108;
	_ =	swait.ge @!p0 [sflag:s8], $0x0  }
0x24: {  	s3 =	sadd.s32 $0x88, s3;
	s6 =	simm.s32 @!p1 $0x1082;
	[sflag:s4] =	ssyncset.s32 $0xFFFFF086  }
0x25: {  	[simem:s6], [sflag:s4] =	dma.local [hbm:s3], $0xF7A  }
0x26: {  	[smem:$0x3F9E] =	sst s1;
	(tag) =	ssettag s2;
	_ =	strace s9  }
0x27: {  	s1 =	sld [smem:$0x3FAE]  }
0x28: {  	s2 =	sld [smem:$0x3FAF]  }
0x29: {  	s4 =	sld [smem:$0x3FB1]  }
0x2a: {  	p0 =	seq.s32 s5, $0x0;
	s5 =	sld [smem:$0x3FB2]  }
0x2b: {  	s6 =	sld [smem:$0x3FB3]  }
0x2c: {  	s7 =	sld [smem:$0x3FB4]  }
0x2d: {  	s3 =	simm.s32 $0x108;
	s8 =	sld [smem:$0x3FB5]  }
0x2e: {  	s3 =	simm.s32 @!p0 $0x1082;
	s9 =	sld [smem:$0x3FB6]  }
0x2f: {  	lr =	sadd.s32 s0, s3;
	s0 =	sld [smem:$0x3FAD]  }
0x30: {  	s3 =	sld [smem:$0x3FB0]  }
0x31: {  	[smem:$0x3FB9] =	sst s10  }
0x32: {  	s10 =	sld [smem:$0x3FB7];
	_ =	sdelay $0x3  }
0x33: {  	p0 =	seq.s32 s10, $0x1;
	s10 =	sld [smem:$0x3FB9];
	_ =	sdelay $0x3  }
0x34: {  	[smem:$0x3FB9] =	sst s10  }
0x35: {  	s10 =	sld [smem:$0x3FB8];
	_ =	sdelay $0x3  }
0x36: {  	p1 =	seq.s32 s10, $0x1;
	s10 =	sld [smem:$0x3FB9];
	_ =	sdelay $0x3  }
0x37: {  	[smem:$0x3FB9] =	sst s10  }
0x38: {  	s10 =	sld [smem:$0x3FBA]  }
0x39: {  	_ = 	snop;
	(pc) =	sbr.ind lr, $3  }
0x3a: {  	_ = 	snop  }
0x3b: {  	_ = 	snop  }
0x3c: {  	p2 =	seq.s32 s10, $0x1;
	s10 =	sld [smem:$0x3FB9]  }
0x3d: {  	_ =	shalt  }
0x3e: {  	_ =	shalt  }
0x3f: {  	_ =	shalt  }
0x40: {  	_ =	shalt  }
0x41: {  	_ =	shalt  }
0x42: {  	_ =	shalt  }
0x43: {  	_ =	shalt  }
0x44: {  	_ =	shalt  }
0x45: {  	_ =	shalt  }
0x46: {  	_ =	shalt  }
0x47: {  	_ =	shalt  }
0x48: {  	_ =	shalt  }
0x49: {  	_ =	shalt  }
0x4a: {  	_ =	shalt  }
0x4b: {  	_ =	shalt  }
0x4c: {  	_ =	shalt  }
0x4d: {  	_ =	shalt  }
0x4e: {  	_ =	shalt  }
0x4f: {  	_ =	shalt  }
0x50: {  	_ =	shalt  }
0x51: {  	_ =	shalt  }
0x52: {  	_ =	shalt  }
0x53: {  	_ =	shalt  }
0x54: {  	_ =	shalt  }
0x55: {  	_ =	shalt  }
0x56: {  	_ =	shalt  }
0x57: {  	_ =	shalt  }
0x58: {  	_ =	shalt  }
0x59: {  	_ =	shalt  }
0x5a: {  	_ =	shalt  }
0x5b: {  	_ =	shalt  }
0x5c: {  	_ =	shalt  }
0x5d: {  	_ =	shalt  }
0x5e: {  	_ =	shalt  }
0x5f: {  	_ =	shalt  }
0x60: {  	_ =	shalt  }
0x61: {  	_ =	shalt  }
0x62: {  	_ =	shalt  }
0x63: {  	_ =	shalt  }
0x64: {  	_ =	shalt  }
0x65: {  	_ =	shalt  }
0x66: {  	_ =	shalt  }
0x67: {  	_ =	shalt  }
0x68: {  	_ =	shalt  }
0x69: {  	_ =	shalt  }
0x6a: {  	_ =	shalt  }
0x6b: {  	_ =	shalt  }
0x6c: {  	_ =	shalt  }
0x6d: {  	_ =	shalt  }
0x6e: {  	_ =	shalt  }
0x6f: {  	_ =	shalt  }
0x70: {  	_ =	shalt  }
0x71: {  	_ =	shalt  }
0x72: {  	_ =	shalt  }
0x73: {  	_ =	shalt  }
0x74: {  	_ =	shalt  }
0x75: {  	_ =	shalt  }
0x76: {  	_ =	shalt  }
0x77: {  	_ =	shalt  }
0x78: {  	_ =	shalt  }
0x79: {  	_ =	shalt  }
0x7a: {  	_ =	shalt  }
0x7b: {  	_ =	shalt  }
0x7c: {  	_ =	shalt  }
0x7d: {  	_ =	shalt  }
0x7e: {  	_ =	shalt  }
0x7f: {  	_ =	shalt  }
0x80: {  	_ =	shalt  }
0x81: {  	_ =	shalt  }
0x82: {  	_ =	shalt  }
0x83: {  	_ =	shalt  }
0x84: {  	_ =	shalt  }
0x85: {  	_ =	shalt  }
0x86: {  	_ =	shalt  }
0x87: {  	_ =	shalt  }
.Lfunc_end0:
.L_simem_size_0:
called_computation_lowered:
.L_overlay_start_0:
0x88: {  	s2 =	sld [smem:$0x3FD9]  }
0x89: {  	s3 =	sld [smem:$0x3FFE];
	_ =	sdelay $0x1  }
0x8a: {  	s1 =	srdreg.scid  }
0x8b: {  	s0 =	sand.u32 $0x1, s1  }
0x8c: {  	s16 =	sshll.u32 s0, $0xA;
	s2 =	sadd.s32 s3, s2  }
0x8d: {  	s2 =	sadd.s32 s2, s16  }
0x8e: {  	[smem:$0x3FC5] =	sst s2  }
0x8f: {  	_ = 	snop  }
0x90: {  	(tm) =	ssettm $0x1  }
0x91: {  	s17 =	sld [smem:$0x3FFB];
	_ =	sdelay $0x3  }
0x92: {  	_ =	strace s17  }
0x93: {  	s2 =	sld [smem:$0x3FFC];
	_ =	sdelay $0x3  }
0x94: {  	_ =	strace s2  }
0x95: {  	s2 =	sld [smem:$0x3FFD];
	_ =	sdelay $0x3  }
0x96: {  	_ =	strace s2  }
0x97: {  	_ =	strace $0x8FFFFFFF  }
0x98: {  	s18 =	sld [smem:$0x3FDB];
	_ =	sdelay $0x1  }
0x99: {  	s19 =	simm.s32 $_scs_section_size  }
0x9a: {  	s4 =	simm.s32 $_size__tile_overlayer_lowered;
	s5 =	simm.s32 $_tile_overlayer_lowered  }
0x9b: {  	s22 =	simm.s32 $0x1BFF;
	s21 =	sshll.u32 s5, $0x1;
	s2 =	sadd.s32 s19, s18  }
0x9c: {  	s6 =	simm.s32 $0x0;
	s20 =	sshll.u32 s4, $0x1;
	s4 =	sadd.s32 s21, s2  }
0x9d: {  	[timem:s6], [sflag:s22] =	dma.local [hbm:s4], s20  }
0x9e: {  	_ =	swait.ge [sflag:s22], s20  }
0x9f: {  	s3 =	ssub.s32 $0x0, s20;
	[sflag:s22] =	ssyncset.done $0x0  }
0xa0: {  	[sflag:s22] =	ssyncadd.s32 s3;
	_ =	sdelay $0x1  }
0xa1: {  	s23 =	simm.s32 $0x1B8B  }
0xa2: {  	_ =	swait.ge [sflag:s23], $0x1  }
0xa3: {  	[sflag:s23] =	ssyncset.done $0x0  }
0xa4: {  	s25 =	simm.s32 $0x1B8E;
	s24 =	sld [smem:$0x3FFE];
	[sflag:s23] =	ssyncadd.s32 $0xFFFFFFFF  }
0xa5: {  	s26 =	simm.s32 $execute0_lowered;
	[smem:$0x3FD2] =	sst s25  }
0xa6: {  	s4 =	sshll.u32 s26, $0x1;
	_ =	strace $0x80000046;
	[dreg:$0x1] =	wrdreg $0xFFFFFFFF  }
0xa7: {  	s28 =	simm.s32 $_size_execute0_lowered;
	s2 =	sadd.s32 s2, s4;
	[dreg:$0x0] =	wrdreg $0x0  }
0xa8: {  	s4 =	sshll.u32 s28, $0x1;
	[dreg:$0x2] =	wrdreg s2  }
0xa9: {  	[dreg:$0x3] =	wrdreg s4  }
0xaa: {  	[dreg:$0x4] =	wrdreg $0xC0  }
0xab: {  	_ =	task [dreg:s6], $0x5FFFF  }
0xac: {  	[dreg:$0x1] =	wrdreg $0xFFFFFFFF  }
0xad: {  	[dreg:$0x0] =	wrdreg $0x60  }
0xae: {  	[dreg:$0x2] =	wrdreg s24  }
0xaf: {  	[dreg:$0x3] =	wrdreg $0x9  }
0xb0: {  	_ =	task.clear_ibuf [dreg:s6], $0x4FFFF;
	_ =	strace $0x90000046  }
0xb1: {  	s29 =	simm.s32 $0x9;
	_ =	strace $0x80000048  }
0xb2: {  	_ =	swait.ge [sflag:s29], $0x1  }
0xb3: {  	[sflag:s29] =	ssyncadd.s32 $0xFFFFFFFF  }
0xb4: {  	_ =	strace $0x90000048  }
0xb5: {  	_ =	sfence  }
0xb6: {  	s30 =	sld [smem:$0x0];
	_ =	sdelay $0x2  }
0xb7: {  	s31 =	sshll.u32 s1, $0xD;
	s1 =	sshrl.u32 s1, $0x2  }
0xb8: {  	s3 =	sand.u32 $0x4000, s31;
	s1 =	sadd.s32 s1, s30  }
0xb9: {  	s0 =	sor.u32 s3, s0;
	s1 =	sshll.u32 s1, $0x11  }
0xba: {  	s0 =	sor.u32 s1, s0  }
0xbb: {  	s0 =	sadd.s32 $0x8F2B, s0  }
0xbc: {  	[sflag:s0] =	ssyncadd.remote.s32 $0x1  }
0xbd: {  	_ =	sfence.sel $0xFFFF  }
0xbe: {  	[dreg:$0x0] =	wrdreg $0xFFFFFFFF;
	(pc) =	sbr.abs _section_cstart, $3  }
0xbf: {  	[dreg:$0x1] =	wrdreg $0xFFFFFFFF  }
0xc0: {  	_ =	task.clear_ibuf [dreg:s6], $0x2FFFF;
	_ =	strace $0x9FFFFFFF  }
0xc1: {  	(tm) =	ssettm $0x7FFFFFFF  }
tec
execute0_lowered:
.L_overlay_start_1:
0x0: {  	(tag) =	ssettag $0x1  }
0x1: {  	s0 =	srdreg.scid  }
0x2: {  	s23 =	stileid.u32;
	s1 =	sand.u32 $0x1, s0  }
0x3: {  	s4 =	rddreg [dreg:$0x0];
	s24 =	simm.s32 $0x680;
	s2 =	sshll.u32 s1, $0x4  }
0x4: {  	s6 =	simm.s32 $0x700;
	s3 =	sor.u32 s23, s2;
	s2 =	simm.s32 $0x0  }
0x5: {  	s5 =	smul.u32 $0xC8, s3;
	[smem:$0x7FF] =	sst s2;
	s3 =	sshll.u32 s3, $0x1  }
0x6: {  	_ =	strace $0x80000047;
	s3 =	sadd.s32 s3, s4;
	[dreg:$0x4] =	wrdreg s24  }
0x7: {  	[dreg:$0x5] =	wrdreg s6;
	s5 =	sadd.s32 s5, s4;
	s3 =	sadd.s32 $0x22400, s3  }
0x8: {  	s5 =	sadd.s32 $0xA00, s5;
	[dreg:$0x3] =	wrdreg s3  }
0x9: {  	[dreg:$0x2] =	wrdreg s5  }
0xa: {  	s3 =	simm.s32 $0x2;
	s5 =	rddreg [dreg:$0x2]  }
0xb: {  	[tilespmem:s2], [sflag:$0x2] =	stream.linear.gather [hbm4b:s5+s2], $0x640, $0x38;
	[tilespmem:$0xD80] =	vst v63  }
0xc: {  	_ =	swait.ge [sflag:s3], $0x640  }
0xd: {  	s4 =	sadd.s32 $0x2400, s4;
	[sflag:s3] =	ssyncset.done $0x0  }
0xe: {  	s5 =	simm.s32 $0x80;
	s25 =	rddreg [dreg:$0x4];
	[sflag:s3] =	ssyncadd.s32 $0xFFFFF9C0  }
0xf: {  	[tilespmem:s25], [sflag:$0x1] =	stream.indirect.gather [hbm4b:s4+s5], $0x1, s2, s5, $0xb8;
	[tilespmem:$0xD80] =	vst v63  }
0x10: {  	s7 =	rddreg [dreg:$0x5]  }
0x11: {  	[tilespmem:s7], [sflag:$0x1] =	stream.indirect.gather [hbm4b:s4+s5], $0x1, s5, s5, $0xb8;
	[tilespmem:$0xD80] =	vst v63  }
0x12: {  	s26 =	simm.s32 $0x100;
	s7 =	simm.s32 $0x780  }
0x13: {  	[tilespmem:s7], [sflag:$0x1] =	stream.indirect.gather [hbm4b:s4+s5], $0x1, s26, s5, $0xb8;
	[tilespmem:$0xD80] =	vst v63  }
0x14: {  	s8 =	simm.s32 $0x180;
	s9 =	simm.s32 $0x800  }
0x15: {  	[tilespmem:s9], [sflag:$0x1] =	stream.indirect.gather [hbm4b:s4+s5], $0x1, s8, s5, $0xb8;
	[tilespmem:$0xD80] =	vst v63  }
0x16: {  	s10 =	simm.s32 $0x200;
	s11 =	simm.s32 $0x880  }
0x17: {  	[tilespmem:s11], [sflag:$0x1] =	stream.indirect.gather [hbm4b:s4+s5], $0x1, s10, s5, $0xb8;
	[tilespmem:$0xD80] =	vst v63  }
0x18: {  	s12 =	simm.s32 $0x280;
	s13 =	simm.s32 $0x900  }
0x19: {  	[tilespmem:s13], [sflag:$0x1] =	stream.indirect.gather [hbm4b:s4+s5], $0x1, s12, s5, $0xb8;
	[tilespmem:$0xD80] =	vst v63  }
0x1a: {  	s14 =	simm.s32 $0x300;
	s15 =	simm.s32 $0x980  }
0x1b: {  	[tilespmem:s15], [sflag:$0x1] =	stream.indirect.gather [hbm4b:s4+s5], $0x1, s14, s5, $0xb8;
	[tilespmem:$0xD80] =	vst v63  }
0x1c: {  	s16 =	simm.s32 $0x380;
	s17 =	simm.s32 $0xA00  }
0x1d: {  	[tilespmem:s17], [sflag:$0x1] =	stream.indirect.gather [hbm4b:s4+s5], $0x1, s16, s5, $0xb8;
	[tilespmem:$0xD80] =	vst v63  }
0x1e: {  	s18 =	simm.s32 $0x400;
	s19 =	simm.s32 $0xA80  }
0x1f: {  	[tilespmem:s19], [sflag:$0x1] =	stream.indirect.gather [hbm4b:s4+s5], $0x1, s18, s5, $0xb8;
	[tilespmem:$0xD80] =	vst v63  }
0x20: {  	s20 =	simm.s32 $0x480;
	s21 =	simm.s32 $0xB00  }
0x21: {  	[tilespmem:s21], [sflag:$0x1] =	stream.indirect.gather [hbm4b:s4+s5], $0x1, s20, s5, $0xb8;
	[tilespmem:$0xD80] =	vst v63  }
0x22: {  	s22 =	simm.s32 $0x500;
	s23 =	simm.s32 $0xB80  }
0x23: {  	[tilespmem:s23], [sflag:$0x1] =	stream.indirect.gather [hbm4b:s4+s5], $0x1, s22, s5, $0xb8;
	[tilespmem:$0xD80] =	vst v63  }
0x24: {  	s28 =	simm.s32 $0x600;
	s24 =	simm.s32 $0x580;
	s25 =	simm.s32 $0xC00  }
0x25: {  	[tilespmem:s25], [sflag:$0x1] =	stream.indirect.gather [hbm4b:s4+s5], $0x1, s24, s5, $0xb8;
	[tilespmem:$0xD80] =	vst v63  }
0x26: {  	s29 =	simm.s32 $0xC80;
	s30 =	simm.s32 $0x1;
	s26 =	simm.s32 $0x40  }
0x27: {  	[tilespmem:s29], [sflag:$0x1] =	stream.indirect.gather [hbm4b:s4+s26], $0x1, s28, s26, $0xb8;
	[tilespmem:$0xD80] =	vst v63  }
0x28: {  	_ =	swait.ge [sflag:s30], $0x80  }
0x29: {  	[sflag:s30] =	ssyncset.done $0x0  }
0x2a: {  	[sflag:s30] =	ssyncadd.s32 $0xFFFFFF80  }
0x2b: {  	v0 =	vld [tilespmem:$0x680];
	_ =	sdelay $0x1  }
0x2c: {  	v1 =	vld [tilespmem:$0x690];
	_ =	sdelay $0x1  }
0x2d: {  	v2 =	vld [tilespmem:$0x6A0]  }
0x2e: {  	v0 =	vadd.f32 $0.0e+00, v0  }
0x2f: {  	v3 =	vld [tilespmem:$0x6B0]  }
0x30: {  	v0 =	vadd.f32 v1, v0  }
0x31: {  	v1 =	vld [tilespmem:$0x6C0]  }
0x32: {  	v0 =	vadd.f32 v2, v0  }
0x33: {  	v2 =	vld [tilespmem:$0x6D0]  }
0x34: {  	v0 =	vadd.f32 v3, v0  }
0x35: {  	v3 =	vld [tilespmem:$0x6E0]  }
0x36: {  	v4 =	vld [tilespmem:$0x6F0];
	_ =	swait.ge [sflag:s30], $0x80;
	v0 =	vadd.f32 v1, v0  }
0x37: {  	[sflag:s30] =	ssyncset.done $0x0  }
0x38: {  	[sflag:s30] =	ssyncadd.s32 $0xFFFFFF80;
	v0 =	vadd.f32 v2, v0  }
0x39: {  	v1 =	vld [tilespmem:$0x700]  }
0x3a: {  	v0 =	vadd.f32 v3, v0  }
0x3b: {  	v2 =	vld [tilespmem:$0x710]  }
0x3c: {  	v0 =	vadd.f32 v4, v0  }
0x3d: {  	v3 =	vld [tilespmem:$0x720]  }
0x3e: {  	v0 =	vadd.f32 v1, v0  }
0x3f: {  	v1 =	vld [tilespmem:$0x730]  }
0x40: {  	v0 =	vadd.f32 v2, v0  }
0x41: {  	v2 =	vld [tilespmem:$0x740]  }
0x42: {  	v0 =	vadd.f32 v3, v0  }
0x43: {  	v3 =	vld [tilespmem:$0x750]  }
0x44: {  	v0 =	vadd.f32 v1, v0  }
0x45: {  	v53 =	vld [tilespmem:$0x760]  }
0x46: {  	v1 =	vld [tilespmem:$0x770];
	_ =	swait.ge [sflag:s30], $0x80;
	v0 =	vadd.f32 v2, v0  }
0x47: {  	[sflag:s30] =	ssyncset.done $0x0  }
0x48: {  	[sflag:s30] =	ssyncadd.s32 $0xFFFFFF80;
	v0 =	vadd.f32 v3, v0  }
0x49: {  	v2 =	vld [tilespmem:$0x780]  }
0x4a: {  	v0 =	vadd.f32 v53, v0  }
0x4b: {  	v3 =	vld [tilespmem:$0x790]  }
0x4c: {  	v0 =	vadd.f32 v1, v0  }
0x4d: {  	v1 =	vld [tilespmem:$0x7A0]  }
0x4e: {  	v0 =	vadd.f32 v2, v0  }
0x4f: {  	v2 =	vld [tilespmem:$0x7B0]  }
0x50: {  	v0 =	vadd.f32 v3, v0  }
0x51: {  	v3 =	vld [tilespmem:$0x7C0]  }
0x52: {  	v0 =	vadd.f32 v1, v0  }
0x53: {  	v1 =	vld [tilespmem:$0x7D0]  }
0x54: {  	v0 =	vadd.f32 v2, v0  }
0x55: {  	v54 =	vld [tilespmem:$0x7E0]  }
0x56: {  	v2 =	vld [tilespmem:$0x7F0];
	_ =	swait.ge [sflag:s30], $0x80;
	v0 =	vadd.f32 v3, v0  }
0x57: {  	[sflag:s30] =	ssyncset.done $0x0  }
0x58: {  	[sflag:s30] =	ssyncadd.s32 $0xFFFFFF80;
	v0 =	vadd.f32 v1, v0  }
0x59: {  	v1 =	vld [tilespmem:$0x800]  }
0x5a: {  	v0 =	vadd.f32 v54, v0  }
0x5b: {  	v3 =	vld [tilespmem:$0x810]  }
0x5c: {  	v0 =	vadd.f32 v2, v0  }
0x5d: {  	v2 =	vld [tilespmem:$0x820]  }
0x5e: {  	v0 =	vadd.f32 v1, v0  }
0x5f: {  	v1 =	vld [tilespmem:$0x830]  }
0x60: {  	v0 =	vadd.f32 v3, v0  }
0x61: {  	v3 =	vld [tilespmem:$0x840]  }
0x62: {  	v0 =	vadd.f32 v2, v0  }
0x63: {  	v2 =	vld [tilespmem:$0x850]  }
0x64: {  	v0 =	vadd.f32 v1, v0  }
0x65: {  	v1 =	vld [tilespmem:$0x860]  }
0x66: {  	v55 =	vld [tilespmem:$0x870];
	_ =	swait.ge [sflag:s30], $0x80;
	v0 =	vadd.f32 v3, v0  }
0x67: {  	[sflag:s30] =	ssyncset.done $0x0  }
0x68: {  	[sflag:s30] =	ssyncadd.s32 $0xFFFFFF80;
	v0 =	vadd.f32 v2, v0  }
0x69: {  	v2 =	vld [tilespmem:$0x880]  }
0x6a: {  	v0 =	vadd.f32 v1, v0  }
0x6b: {  	v1 =	vld [tilespmem:$0x890]  }
0x6c: {  	v0 =	vadd.f32 v55, v0  }
0x6d: {  	v3 =	vld [tilespmem:$0x8A0]  }
0x6e: {  	v0 =	vadd.f32 v2, v0  }
0x6f: {  	v2 =	vld [tilespmem:$0x8B0]  }
0x70: {  	v0 =	vadd.f32 v1, v0  }
0x71: {  	v1 =	vld [tilespmem:$0x8C0]  }
0x72: {  	v0 =	vadd.f32 v3, v0  }
0x73: {  	v3 =	vld [tilespmem:$0x8D0]  }
0x74: {  	v0 =	vadd.f32 v2, v0  }
0x75: {  	v56 =	vld [tilespmem:$0x8E0]  }
0x76: {  	v2 =	vld [tilespmem:$0x8F0];
	_ =	swait.ge [sflag:s30], $0x80;
	v0 =	vadd.f32 v1, v0  }
0x77: {  	[sflag:s30] =	ssyncset.done $0x0  }
0x78: {  	[sflag:s30] =	ssyncadd.s32 $0xFFFFFF80;
	v0 =	vadd.f32 v3, v0  }
0x79: {  	v1 =	vld [tilespmem:$0x900]  }
0x7a: {  	v0 =	vadd.f32 v56, v0  }
0x7b: {  	v3 =	vld [tilespmem:$0x910]  }
0x7c: {  	v0 =	vadd.f32 v2, v0  }
0x7d: {  	v2 =	vld [tilespmem:$0x920]  }
0x7e: {  	v0 =	vadd.f32 v1, v0  }
0x7f: {  	v1 =	vld [tilespmem:$0x930]  }
0x80: {  	v0 =	vadd.f32 v3, v0  }
0x81: {  	v3 =	vld [tilespmem:$0x940]  }
0x82: {  	v0 =	vadd.f32 v2, v0  }
0x83: {  	v2 =	vld [tilespmem:$0x950]  }
0x84: {  	v0 =	vadd.f32 v1, v0  }
0x85: {  	v1 =	vld [tilespmem:$0x960]  }
0x86: {  	v57 =	vld [tilespmem:$0x970];
	_ =	swait.ge [sflag:s30], $0x80;
	v0 =	vadd.f32 v3, v0  }
0x87: {  	[sflag:s30] =	ssyncset.done $0x0  }
0x88: {  	[sflag:s30] =	ssyncadd.s32 $0xFFFFFF80;
	v0 =	vadd.f32 v2, v0  }
0x89: {  	v2 =	vld [tilespmem:$0x980]  }
0x8a: {  	v0 =	vadd.f32 v1, v0  }
0x8b: {  	v1 =	vld [tilespmem:$0x990]  }
0x8c: {  	v0 =	vadd.f32 v57, v0  }
0x8d: {  	v3 =	vld [tilespmem:$0x9A0]  }
0x8e: {  	v0 =	vadd.f32 v2, v0  }
0x8f: {  	v2 =	vld [tilespmem:$0x9B0]  }
0x90: {  	v0 =	vadd.f32 v1, v0  }
0x91: {  	v1 =	vld [tilespmem:$0x9C0]  }
0x92: {  	v0 =	vadd.f32 v3, v0  }
0x93: {  	v3 =	vld [tilespmem:$0x9D0]  }
0x94: {  	v0 =	vadd.f32 v2, v0  }
0x95: {  	v2 =	vld [tilespmem:$0x9E0]  }
0x96: {  	v58 =	vld [tilespmem:$0x9F0];
	_ =	swait.ge [sflag:s30], $0x80;
	v0 =	vadd.f32 v1, v0  }
0x97: {  	[sflag:s30] =	ssyncset.done $0x0  }
0x98: {  	[sflag:s30] =	ssyncadd.s32 $0xFFFFFF80;
	v0 =	vadd.f32 v3, v0  }
0x99: {  	v1 =	vld [tilespmem:$0xA00]  }
0x9a: {  	v0 =	vadd.f32 v2, v0  }
0x9b: {  	v2 =	vld [tilespmem:$0xA10]  }
0x9c: {  	v0 =	vadd.f32 v58, v0  }
0x9d: {  	v3 =	vld [tilespmem:$0xA20]  }
0x9e: {  	v0 =	vadd.f32 v1, v0  }
0x9f: {  	v1 =	vld [tilespmem:$0xA30]  }
0xa0: {  	v0 =	vadd.f32 v2, v0  }
0xa1: {  	v2 =	vld [tilespmem:$0xA40]  }
0xa2: {  	v0 =	vadd.f32 v3, v0  }
0xa3: {  	v3 =	vld [tilespmem:$0xA50]  }
0xa4: {  	v0 =	vadd.f32 v1, v0  }
0xa5: {  	v59 =	vld [tilespmem:$0xA60]  }
0xa6: {  	v1 =	vld [tilespmem:$0xA70];
	_ =	swait.ge [sflag:s30], $0x80;
	v0 =	vadd.f32 v2, v0  }
0xa7: {  	[sflag:s30] =	ssyncset.done $0x0  }
0xa8: {  	[sflag:s30] =	ssyncadd.s32 $0xFFFFFF80;
	v0 =	vadd.f32 v3, v0  }
0xa9: {  	v2 =	vld [tilespmem:$0xA80]  }
0xaa: {  	v0 =	vadd.f32 v59, v0  }
0xab: {  	v3 =	vld [tilespmem:$0xA90]  }
0xac: {  	v0 =	vadd.f32 v1, v0  }
0xad: {  	v1 =	vld [tilespmem:$0xAA0]  }
0xae: {  	v0 =	vadd.f32 v2, v0  }
0xaf: {  	v2 =	vld [tilespmem:$0xAB0]  }
0xb0: {  	v0 =	vadd.f32 v3, v0  }
0xb1: {  	v3 =	vld [tilespmem:$0xAC0]  }
0xb2: {  	v0 =	vadd.f32 v1, v0  }
0xb3: {  	v1 =	vld [tilespmem:$0xAD0]  }
0xb4: {  	v0 =	vadd.f32 v2, v0  }
0xb5: {  	v2 =	vld [tilespmem:$0xAE0]  }
0xb6: {  	v60 =	vld [tilespmem:$0xAF0];
	_ =	swait.ge [sflag:s30], $0x80;
	v0 =	vadd.f32 v3, v0  }
0xb7: {  	[sflag:s30] =	ssyncset.done $0x0  }
0xb8: {  	[sflag:s30] =	ssyncadd.s32 $0xFFFFFF80;
	v0 =	vadd.f32 v1, v0  }
0xb9: {  	v1 =	vld [tilespmem:$0xB00]  }
0xba: {  	v0 =	vadd.f32 v2, v0  }
0xbb: {  	v2 =	vld [tilespmem:$0xB10]  }
0xbc: {  	v0 =	vadd.f32 v60, v0  }
0xbd: {  	v3 =	vld [tilespmem:$0xB20]  }
0xbe: {  	v0 =	vadd.f32 v1, v0  }
0xbf: {  	v1 =	vld [tilespmem:$0xB30]  }
0xc0: {  	v0 =	vadd.f32 v2, v0  }
0xc1: {  	v2 =	vld [tilespmem:$0xB40]  }
0xc2: {  	v0 =	vadd.f32 v3, v0  }
0xc3: {  	v3 =	vld [tilespmem:$0xB50]  }
0xc4: {  	v0 =	vadd.f32 v1, v0  }
0xc5: {  	v61 =	vld [tilespmem:$0xB60]  }
0xc6: {  	v1 =	vld [tilespmem:$0xB70];
	_ =	swait.ge [sflag:s30], $0x80;
	v0 =	vadd.f32 v2, v0  }
0xc7: {  	[sflag:s30] =	ssyncset.done $0x0  }
0xc8: {  	[sflag:s30] =	ssyncadd.s32 $0xFFFFFF80;
	v0 =	vadd.f32 v3, v0  }
0xc9: {  	v2 =	vld [tilespmem:$0xB80]  }
0xca: {  	v0 =	vadd.f32 v61, v0  }
0xcb: {  	v3 =	vld [tilespmem:$0xB90]  }
0xcc: {  	v0 =	vadd.f32 v1, v0  }
0xcd: {  	v1 =	vld [tilespmem:$0xBA0]  }
0xce: {  	v0 =	vadd.f32 v2, v0  }
0xcf: {  	v2 =	vld [tilespmem:$0xBB0]  }
0xd0: {  	v0 =	vadd.f32 v3, v0  }
0xd1: {  	v3 =	vld [tilespmem:$0xBC0]  }
0xd2: {  	v0 =	vadd.f32 v1, v0  }
0xd3: {  	v1 =	vld [tilespmem:$0xBD0]  }
0xd4: {  	v0 =	vadd.f32 v2, v0  }
0xd5: {  	v2 =	vld [tilespmem:$0xBE0]  }
0xd6: {  	v62 =	vld [tilespmem:$0xBF0];
	_ =	swait.ge [sflag:s30], $0x80;
	v0 =	vadd.f32 v3, v0  }
0xd7: {  	[sflag:s30] =	ssyncset.done $0x0  }
0xd8: {  	[sflag:s30] =	ssyncadd.s32 $0xFFFFFF80;
	v0 =	vadd.f32 v1, v0  }
0xd9: {  	v1 =	vld [tilespmem:$0xC00]  }
0xda: {  	v0 =	vadd.f32 v2, v0  }
0xdb: {  	v2 =	vld [tilespmem:$0xC10]  }
0xdc: {  	v0 =	vadd.f32 v62, v0  }
0xdd: {  	v3 =	vld [tilespmem:$0xC20]  }
0xde: {  	v0 =	vadd.f32 v1, v0  }
0xdf: {  	v1 =	vld [tilespmem:$0xC30]  }
0xe0: {  	v0 =	vadd.f32 v2, v0  }
0xe1: {  	v2 =	vld [tilespmem:$0xC40]  }
0xe2: {  	v0 =	vadd.f32 v3, v0  }
0xe3: {  	v3 =	vld [tilespmem:$0xC50]  }
0xe4: {  	v0 =	vadd.f32 v1, v0  }
0xe5: {  	v63 =	vld [tilespmem:$0xC60]  }
0xe6: {  	v1 =	vld [tilespmem:$0xC70];
	_ =	swait.ge [sflag:s30], $0x40;
	v0 =	vadd.f32 v2, v0  }
0xe7: {  	[sflag:s30] =	ssyncset.done $0x0  }
0xe8: {  	[sflag:s30] =	ssyncadd.s32 $0xFFFFFFC0;
	v0 =	vadd.f32 v3, v0  }
0xe9: {  	s1 =	ssub.s32 $0x2, s1;
	v2 =	vld [tilespmem:$0xC80]  }
0xea: {  	s31 =	sshrl.u32 s1, $0x1;
	v0 =	vadd.f32 v63, v0  }
0xeb: {  	s1 =	ssub.s32 s1, s31;
	v3 =	vld [tilespmem:$0xC90]  }
0xec: {  	s1 =	smax.u32 s1, $0x1;
	v0 =	vadd.f32 v1, v0  }
0xed: {  	p0 =	sne.s32 s1, $0x1;
	v1 =	vld [tilespmem:$0xCA0]  }
.Ltmp0:
0xee: {  	v0 =	vadd.f32 v2, v0;
	(pc) =	sbr.rel @!p0 .LBB2_2-.Ltmp0, $3  }
0xef: {  	_ = 	snop  }
0xf0: {  	v2 =	vadd.f32 v3, v0;
	_ =	sdelay $0x1  }
0xf1: {  	s31 =	simm.s32 $0xD00;
	s1 =	sadd.s32 $0xFFFFFFFF, s1;
	v0 =	vld [tilespmem:$0xCB0];
	v1 =	vadd.f32 v1, v2  }
.LBB2_1:
0xf2: {  	_ =	sdelay $0x3  }
0xf3: {  	v0 =	vadd.f32 v0, v1;
	_ =	sdelay $0x1  }
0xf4: {  	s0 =	rddreg [dreg:$0x3];
	[tilespmem:$0xD00] =	vst v0  }
0xf5: {  	[hbm4b:s0+s2] =	stream.linear.scatter [tilespmem:s31], [sflag:$0x2], $0x10, $0x38;
	[tilespmem:$0xD80] =	vst v63  }
0xf6: {  	_ =	swait.ge [sflag:s3], $0x10  }
0xf7: {  	[sflag:s3] =	ssyncset.done $0x0  }
0xf8: {  	s6 =	rddreg [dreg:$0x2];
	[sflag:s3] =	ssyncadd.s32 $0xFFFFFFF0  }
0xf9: {  	[tilespmem:s2], [sflag:$0x2] =	stream.linear.gather [hbm4b:s6+s2], $0x640, $0x38;
	[tilespmem:$0xD80] =	vst v63  }
0xfa: {  	_ =	swait.ge [sflag:s3], $0x640  }
0xfb: {  	[sflag:s3] =	ssyncset.done $0x0  }
0xfc: {  	s0 =	rddreg [dreg:$0x4];
	[sflag:s3] =	ssyncadd.s32 $0xFFFFF9C0  }
0xfd: {  	[tilespmem:s0], [sflag:$0x1] =	stream.indirect.gather [hbm4b:s4+s5], $0x1, s2, s5, $0xb8;
	[tilespmem:$0xD80] =	vst v63  }
0xfe: {  	s6 =	rddreg [dreg:$0x5]  }
0xff: {  	[tilespmem:s6], [sflag:$0x1] =	stream.indirect.gather [hbm4b:s4+s5], $0x1, s5, s5, $0xb8;
	[tilespmem:$0xD80] =	vst v63  }
0x100: {  	s6 =	simm.s32 $0x100  }
0x101: {  	[tilespmem:s7], [sflag:$0x1] =	stream.indirect.gather [hbm4b:s4+s5], $0x1, s6, s5, $0xb8;
	[tilespmem:$0xD80] =	vst v63  }
0x102: {  	_ = 	snop  }
0x103: {  	[tilespmem:s9], [sflag:$0x1] =	stream.indirect.gather [hbm4b:s4+s5], $0x1, s8, s5, $0xb8;
	[tilespmem:$0xD80] =	vst v63  }
0x104: {  	_ = 	snop  }
0x105: {  	[tilespmem:s11], [sflag:$0x1] =	stream.indirect.gather [hbm4b:s4+s5], $0x1, s10, s5, $0xb8;
	[tilespmem:$0xD80] =	vst v63  }
0x106: {  	_ = 	snop  }
0x107: {  	[tilespmem:s13], [sflag:$0x1] =	stream.indirect.gather [hbm4b:s4+s5], $0x1, s12, s5, $0xb8;
	[tilespmem:$0xD80] =	vst v63  }
0x108: {  	_ = 	snop  }
0x109: {  	[tilespmem:s15], [sflag:$0x1] =	stream.indirect.gather [hbm4b:s4+s5], $0x1, s14, s5, $0xb8;
	[tilespmem:$0xD80] =	vst v63  }
0x10a: {  	_ = 	snop  }
0x10b: {  	[tilespmem:s17], [sflag:$0x1] =	stream.indirect.gather [hbm4b:s4+s5], $0x1, s16, s5, $0xb8;
	[tilespmem:$0xD80] =	vst v63  }
0x10c: {  	_ = 	snop  }
0x10d: {  	[tilespmem:s19], [sflag:$0x1] =	stream.indirect.gather [hbm4b:s4+s5], $0x1, s18, s5, $0xb8;
	[tilespmem:$0xD80] =	vst v63  }
0x10e: {  	_ = 	snop  }
0x10f: {  	[tilespmem:s21], [sflag:$0x1] =	stream.indirect.gather [hbm4b:s4+s5], $0x1, s20, s5, $0xb8;
	[tilespmem:$0xD80] =	vst v63  }
0x110: {  	_ = 	snop  }
0x111: {  	[tilespmem:s23], [sflag:$0x1] =	stream.indirect.gather [hbm4b:s4+s5], $0x1, s22, s5, $0xb8;
	[tilespmem:$0xD80] =	vst v63  }
0x112: {  	_ = 	snop  }
0x113: {  	[tilespmem:s25], [sflag:$0x1] =	stream.indirect.gather [hbm4b:s4+s5], $0x1, s24, s5, $0xb8;
	[tilespmem:$0xD80] =	vst v63  }
0x114: {  	_ = 	snop  }
0x115: {  	[tilespmem:s29], [sflag:$0x1] =	stream.indirect.gather [hbm4b:s4+s26], $0x1, s28, s26, $0xb8;
	[tilespmem:$0xD80] =	vst v63  }
0x116: {  	_ =	swait.ge [sflag:s30], $0x80  }
0x117: {  	[sflag:s30] =	ssyncset.done $0x0  }
0x118: {  	[sflag:s30] =	ssyncadd.s32 $0xFFFFFF80  }
0x119: {  	v6 =	vld [tilespmem:$0x680];
	_ =	sdelay $0x1  }
0x11a: {  	v5 =	vld [tilespmem:$0x690];
	_ =	sdelay $0x1  }
0x11b: {  	v4 =	vld [tilespmem:$0x6A0]  }
0x11c: {  	v6 =	vadd.f32 $0.0e+00, v6  }
0x11d: {  	v3 =	vld [tilespmem:$0x6B0]  }
0x11e: {  	v5 =	vadd.f32 v5, v6  }
0x11f: {  	v2 =	vld [tilespmem:$0x6C0]  }
0x120: {  	v4 =	vadd.f32 v4, v5  }
0x121: {  	v1 =	vld [tilespmem:$0x6D0]  }
0x122: {  	v3 =	vadd.f32 v3, v4  }
0x123: {  	v7 =	vld [tilespmem:$0x6E0]  }
0x124: {  	v0 =	vld [tilespmem:$0x6F0];
	_ =	swait.ge [sflag:s30], $0x80;
	v2 =	vadd.f32 v2, v3  }
0x125: {  	[sflag:s30] =	ssyncset.done $0x0  }
0x126: {  	[sflag:s30] =	ssyncadd.s32 $0xFFFFFF80;
	v1 =	vadd.f32 v1, v2  }
0x127: {  	v46 =	vld [tilespmem:$0x700]  }
0x128: {  	v1 =	vadd.f32 v7, v1  }
0x129: {  	v11 =	vld [tilespmem:$0x710]  }
0x12a: {  	v0 =	vadd.f32 v0, v1  }
0x12b: {  	v45 =	vld [tilespmem:$0x720]  }
0x12c: {  	v0 =	vadd.f32 v46, v0  }
0x12d: {  	v10 =	vld [tilespmem:$0x730]  }
0x12e: {  	v0 =	vadd.f32 v11, v0  }
0x12f: {  	v44 =	vld [tilespmem:$0x740]  }
0x130: {  	v0 =	vadd.f32 v45, v0  }
0x131: {  	v12 =	vld [tilespmem:$0x750]  }
0x132: {  	v0 =	vadd.f32 v10, v0  }
0x133: {  	v8 =	vld [tilespmem:$0x760]  }
0x134: {  	v9 =	vld [tilespmem:$0x770];
	_ =	swait.ge [sflag:s30], $0x80;
	v0 =	vadd.f32 v44, v0  }
0x135: {  	[sflag:s30] =	ssyncset.done $0x0  }
0x136: {  	[sflag:s30] =	ssyncadd.s32 $0xFFFFFF80;
	v0 =	vadd.f32 v12, v0  }
0x137: {  	v14 =	vld [tilespmem:$0x780]  }
0x138: {  	v0 =	vadd.f32 v8, v0  }
0x139: {  	v48 =	vld [tilespmem:$0x790]  }
0x13a: {  	v0 =	vadd.f32 v9, v0  }
0x13b: {  	v13 =	vld [tilespmem:$0x7A0]  }
0x13c: {  	v0 =	vadd.f32 v14, v0  }
0x13d: {  	v1 =	vld [tilespmem:$0x7B0]  }
0x13e: {  	v0 =	vadd.f32 v48, v0  }
0x13f: {  	v47 =	vld [tilespmem:$0x7C0]  }
0x140: {  	v0 =	vadd.f32 v13, v0  }
0x141: {  	v49 =	vld [tilespmem:$0x7D0]  }
0x142: {  	v0 =	vadd.f32 v1, v0  }
0x143: {  	v2 =	vld [tilespmem:$0x7E0]  }
0x144: {  	v3 =	vld [tilespmem:$0x7F0];
	_ =	swait.ge [sflag:s30], $0x80;
	v0 =	vadd.f32 v47, v0  }
0x145: {  	[sflag:s30] =	ssyncset.done $0x0  }
0x146: {  	[sflag:s30] =	ssyncadd.s32 $0xFFFFFF80;
	v0 =	vadd.f32 v49, v0  }
0x147: {  	v17 =	vld [tilespmem:$0x800]  }
0x148: {  	v0 =	vadd.f32 v2, v0  }
0x149: {  	v16 =	vld [tilespmem:$0x810]  }
0x14a: {  	v0 =	vadd.f32 v3, v0  }
0x14b: {  	v53 =	vld [tilespmem:$0x820]  }
0x14c: {  	v0 =	vadd.f32 v17, v0  }
0x14d: {  	v15 =	vld [tilespmem:$0x830]  }
0x14e: {  	v0 =	vadd.f32 v16, v0  }
0x14f: {  	v51 =	vld [tilespmem:$0x840]  }
0x150: {  	v0 =	vadd.f32 v53, v0  }
0x151: {  	v54 =	vld [tilespmem:$0x850]  }
0x152: {  	v0 =	vadd.f32 v15, v0  }
0x153: {  	v52 =	vld [tilespmem:$0x860]  }
0x154: {  	v50 =	vld [tilespmem:$0x870];
	_ =	swait.ge [sflag:s30], $0x80;
	v0 =	vadd.f32 v51, v0  }
0x155: {  	[sflag:s30] =	ssyncset.done $0x0  }
0x156: {  	[sflag:s30] =	ssyncadd.s32 $0xFFFFFF80;
	v0 =	vadd.f32 v54, v0  }
0x157: {  	v19 =	vld [tilespmem:$0x880]  }
0x158: {  	v0 =	vadd.f32 v52, v0  }
0x159: {  	v1 =	vld [tilespmem:$0x890]  }
0x15a: {  	v0 =	vadd.f32 v50, v0  }
0x15b: {  	v18 =	vld [tilespmem:$0x8A0]  }
0x15c: {  	v0 =	vadd.f32 v19, v0  }
0x15d: {  	v58 =	vld [tilespmem:$0x8B0]  }
0x15e: {  	v0 =	vadd.f32 v1, v0  }
0x15f: {  	v57 =	vld [tilespmem:$0x8C0]  }
0x160: {  	v0 =	vadd.f32 v18, v0  }
0x161: {  	v56 =	vld [tilespmem:$0x8D0]  }
0x162: {  	v0 =	vadd.f32 v58, v0  }
0x163: {  	v55 =	vld [tilespmem:$0x8E0]  }
0x164: {  	v59 =	vld [tilespmem:$0x8F0];
	_ =	swait.ge [sflag:s30], $0x80;
	v0 =	vadd.f32 v57, v0  }
0x165: {  	[sflag:s30] =	ssyncset.done $0x0  }
0x166: {  	[sflag:s30] =	ssyncadd.s32 $0xFFFFFF80;
	v0 =	vadd.f32 v56, v0  }
0x167: {  	v22 =	vld [tilespmem:$0x900]  }
0x168: {  	v0 =	vadd.f32 v55, v0  }
0x169: {  	v21 =	vld [tilespmem:$0x910]  }
0x16a: {  	v0 =	vadd.f32 v59, v0  }
0x16b: {  	v61 =	vld [tilespmem:$0x920]  }
0x16c: {  	v0 =	vadd.f32 v22, v0  }
0x16d: {  	v20 =	vld [tilespmem:$0x930]  }
0x16e: {  	v0 =	vadd.f32 v21, v0  }
0x16f: {  	v3 =	vld [tilespmem:$0x940]  }
0x170: {  	v0 =	vadd.f32 v61, v0  }
0x171: {  	v2 =	vld [tilespmem:$0x950]  }
0x172: {  	v0 =	vadd.f32 v20, v0  }
0x173: {  	v62 =	vld [tilespmem:$0x960]  }
0x174: {  	v60 =	vld [tilespmem:$0x970];
	_ =	swait.ge [sflag:s30], $0x80;
	v0 =	vadd.f32 v3, v0  }
0x175: {  	[sflag:s30] =	ssyncset.done $0x0  }
0x176: {  	[sflag:s30] =	ssyncadd.s32 $0xFFFFFF80;
	v0 =	vadd.f32 v2, v0  }
0x177: {  	v24 =	vld [tilespmem:$0x980]  }
0x178: {  	v0 =	vadd.f32 v62, v0  }
0x179: {  	v39 =	vld [tilespmem:$0x990]  }
0x17a: {  	v0 =	vadd.f32 v60, v0  }
0x17b: {  	v23 =	vld [tilespmem:$0x9A0]  }
0x17c: {  	v0 =	vadd.f32 v24, v0  }
0x17d: {  	v38 =	vld [tilespmem:$0x9B0]  }
0x17e: {  	v0 =	vadd.f32 v39, v0  }
0x17f: {  	v37 =	vld [tilespmem:$0x9C0]  }
0x180: {  	v0 =	vadd.f32 v23, v0  }
0x181: {  	v36 =	vld [tilespmem:$0x9D0]  }
0x182: {  	v0 =	vadd.f32 v38, v0  }
0x183: {  	v40 =	vld [tilespmem:$0x9E0]  }
0x184: {  	v63 =	vld [tilespmem:$0x9F0];
	_ =	swait.ge [sflag:s30], $0x80;
	v0 =	vadd.f32 v37, v0  }
0x185: {  	[sflag:s30] =	ssyncset.done $0x0  }
0x186: {  	[sflag:s30] =	ssyncadd.s32 $0xFFFFFF80;
	v0 =	vadd.f32 v36, v0  }
0x187: {  	v44 =	vld [tilespmem:$0xA00]  }
0x188: {  	v0 =	vadd.f32 v40, v0  }
0x189: {  	v26 =	vld [tilespmem:$0xA10]  }
0x18a: {  	v0 =	vadd.f32 v63, v0  }
0x18b: {  	v43 =	vld [tilespmem:$0xA20]  }
0x18c: {  	v0 =	vadd.f32 v44, v0  }
0x18d: {  	v25 =	vld [tilespmem:$0xA30]  }
0x18e: {  	v0 =	vadd.f32 v26, v0  }
0x18f: {  	v42 =	vld [tilespmem:$0xA40]  }
0x190: {  	v0 =	vadd.f32 v43, v0  }
0x191: {  	v27 =	vld [tilespmem:$0xA50]  }
0x192: {  	v0 =	vadd.f32 v25, v0  }
0x193: {  	v1 =	vld [tilespmem:$0xA60]  }
0x194: {  	v41 =	vld [tilespmem:$0xA70];
	_ =	swait.ge [sflag:s30], $0x80;
	v0 =	vadd.f32 v42, v0  }
0x195: {  	[sflag:s30] =	ssyncset.done $0x0  }
0x196: {  	[sflag:s30] =	ssyncadd.s32 $0xFFFFFF80;
	v0 =	vadd.f32 v27, v0  }
0x197: {  	v29 =	vld [tilespmem:$0xA80]  }
0x198: {  	v0 =	vadd.f32 v1, v0  }
0x199: {  	v49 =	vld [tilespmem:$0xA90]  }
0x19a: {  	v0 =	vadd.f32 v41, v0  }
0x19b: {  	v28 =	vld [tilespmem:$0xAA0]  }
0x19c: {  	v0 =	vadd.f32 v29, v0  }
0x19d: {  	v48 =	vld [tilespmem:$0xAB0]  }
0x19e: {  	v0 =	vadd.f32 v49, v0  }
0x19f: {  	v47 =	vld [tilespmem:$0xAC0]  }
0x1a0: {  	v0 =	vadd.f32 v28, v0  }
0x1a1: {  	v46 =	vld [tilespmem:$0xAD0]  }
0x1a2: {  	v0 =	vadd.f32 v48, v0  }
0x1a3: {  	v50 =	vld [tilespmem:$0xAE0]  }
0x1a4: {  	v45 =	vld [tilespmem:$0xAF0];
	_ =	swait.ge [sflag:s30], $0x80;
	v0 =	vadd.f32 v47, v0  }
0x1a5: {  	[sflag:s30] =	ssyncset.done $0x0  }
0x1a6: {  	[sflag:s30] =	ssyncadd.s32 $0xFFFFFF80;
	v0 =	vadd.f32 v46, v0  }
0x1a7: {  	v3 =	vld [tilespmem:$0xB00]  }
0x1a8: {  	v0 =	vadd.f32 v50, v0  }
0x1a9: {  	v51 =	vld [tilespmem:$0xB10]  }
0x1aa: {  	v0 =	vadd.f32 v45, v0  }
0x1ab: {  	v2 =	vld [tilespmem:$0xB20]  }
0x1ac: {  	v0 =	vadd.f32 v3, v0  }
0x1ad: {  	v30 =	vld [tilespmem:$0xB30]  }
0x1ae: {  	v0 =	vadd.f32 v51, v0  }
0x1af: {  	v52 =	vld [tilespmem:$0xB40]  }
0x1b0: {  	v0 =	vadd.f32 v2, v0  }
0x1b1: {  	v31 =	vld [tilespmem:$0xB50]  }
0x1b2: {  	v0 =	vadd.f32 v30, v0  }
0x1b3: {  	v53 =	vld [tilespmem:$0xB60]  }
0x1b4: {  	v32 =	vld [tilespmem:$0xB70];
	_ =	swait.ge [sflag:s30], $0x80;
	v0 =	vadd.f32 v52, v0  }
0x1b5: {  	[sflag:s30] =	ssyncset.done $0x0  }
0x1b6: {  	[sflag:s30] =	ssyncadd.s32 $0xFFFFFF80;
	v0 =	vadd.f32 v31, v0  }
0x1b7: {  	v2 =	vld [tilespmem:$0xB80]  }
0x1b8: {  	v0 =	vadd.f32 v53, v0  }
0x1b9: {  	v1 =	vld [tilespmem:$0xB90]  }
0x1ba: {  	v0 =	vadd.f32 v32, v0  }
0x1bb: {  	v56 =	vld [tilespmem:$0xBA0]  }
0x1bc: {  	v0 =	vadd.f32 v2, v0  }
0x1bd: {  	v57 =	vld [tilespmem:$0xBB0]  }
0x1be: {  	v0 =	vadd.f32 v1, v0  }
0x1bf: {  	v2 =	vld [tilespmem:$0xBC0]  }
0x1c0: {  	v0 =	vadd.f32 v56, v0  }
0x1c1: {  	v55 =	vld [tilespmem:$0xBD0]  }
0x1c2: {  	v0 =	vadd.f32 v57, v0  }
0x1c3: {  	v54 =	vld [tilespmem:$0xBE0]  }
0x1c4: {  	v3 =	vld [tilespmem:$0xBF0];
	_ =	swait.ge [sflag:s30], $0x80;
	v0 =	vadd.f32 v2, v0  }
0x1c5: {  	[sflag:s30] =	ssyncset.done $0x0  }
0x1c6: {  	[sflag:s30] =	ssyncadd.s32 $0xFFFFFF80;
	v0 =	vadd.f32 v55, v0  }
0x1c7: {  	v59 =	vld [tilespmem:$0xC00]  }
0x1c8: {  	v0 =	vadd.f32 v54, v0  }
0x1c9: {  	v62 =	vld [tilespmem:$0xC10]  }
0x1ca: {  	v0 =	vadd.f32 v3, v0  }
0x1cb: {  	v61 =	vld [tilespmem:$0xC20]  }
0x1cc: {  	v0 =	vadd.f32 v59, v0  }
0x1cd: {  	v60 =	vld [tilespmem:$0xC30]  }
0x1ce: {  	v0 =	vadd.f32 v62, v0  }
0x1cf: {  	v2 =	vld [tilespmem:$0xC40]  }
0x1d0: {  	v0 =	vadd.f32 v61, v0  }
0x1d1: {  	v58 =	vld [tilespmem:$0xC50]  }
0x1d2: {  	v0 =	vadd.f32 v60, v0  }
0x1d3: {  	v1 =	vld [tilespmem:$0xC60]  }
0x1d4: {  	v63 =	vld [tilespmem:$0xC70];
	_ =	swait.ge [sflag:s30], $0x40;
	v0 =	vadd.f32 v2, v0  }
0x1d5: {  	[sflag:s30] =	ssyncset.done $0x0  }
0x1d6: {  	[sflag:s30] =	ssyncadd.s32 $0xFFFFFFC0;
	v0 =	vadd.f32 v58, v0  }
0x1d7: {  	v2 =	vld [tilespmem:$0xC80]  }
0x1d8: {  	v0 =	vadd.f32 v1, v0  }
0x1d9: {  	v1 =	vld [tilespmem:$0xC90]  }
0x1da: {  	v0 =	vadd.f32 v63, v0  }
0x1db: {  	p0 =	sne.s32 s1, $0x1;
	v3 =	vld [tilespmem:$0xCA0]  }
.Ltmp1:
0x1dc: {  	v2 =	vadd.f32 v2, v0;
	(pc) =	sbr.rel @p0 .LBB2_1-.Ltmp1, $3  }
0x1dd: {  	_ = 	snop  }
0x1de: {  	v1 =	vadd.f32 v1, v2;
	_ =	sdelay $0x1  }
0x1df: {  	s1 =	sadd.s32 $0xFFFFFFFF, s1;
	v0 =	vld [tilespmem:$0xCB0];
	v1 =	vadd.f32 v3, v1  }
.LBB2_2:
0x1e0: {  	_ =	sdelay $0x3  }
0x1e1: {  	v0 =	vadd.f32 v0, v1;
	_ =	sdelay $0x1  }
0x1e2: {  	s0 =	rddreg [dreg:$0x3];
	[tilespmem:$0xD00] =	vst v0  }
0x1e3: {  	[hbm4b:s0+s2] =	stream.linear.scatter [tilespmem:s31], [sflag:$0x2], $0x10, $0x38;
	[tilespmem:$0xD80] =	vst v63  }
0x1e4: {  	_ =	swait.ge [sflag:s3], $0x10  }
0x1e5: {  	[sflag:s3] =	ssyncset.done $0x0  }
0x1e6: {  	[sflag:s3] =	ssyncadd.s32 $0xFFFFFFF0  }
0x1e7: {  	_ =	sfence.sel $0x180000  }
0x1e8: {  	[bflag:$0x0] =	sbarrier.arrive $0xFFFF  }
0x1e9: {  	_ =	strace $0x90000047  }
0x1ea: {  	s31 =	stileid.u32;
	[bflag:$0x2] =	sbarrier.arrive $0xFFFF  }
0x1eb: {  	p0 =	sne.s32 s31, $0x0;
	s0 =	rddreg [dreg:$0x1]  }
0x1ec: {  	s0 =	sadd.s32 @!p0 $0x100000, s0  }
0x1ed: {  	[sflag:s0] =	ssyncadd.tile.s32 @!p0 $0x1;
	_ =	shalt  }
.Lfunc_end2:
_tile_overlayer_lowered:
.L_overlay_start_2:
0x1ee: {  	(tag) =	ssettag $0x2  }
0x1ef: {  	s0 =	rddreg [dreg:$0x0];
	s2 =	stileid.u32  }
0x1f0: {  	s1 =	rddreg [dreg:$0x1];
	p0 =	sne.s32 s2, $0x0  }
0x1f1: {  	s3 =	rddreg [dreg:$0x2];
	[bflag:$0x3] =	sbarrier.arrive $0xFFFF;
	s2 =	simm.s32 @!p0 $0x1C02  }
0x1f2: {  	[timem:s3], [sflag:s2] =	dma.local @!p0 [hbm:s0], s1  }
0x1f3: {  	s0 =	simm.s32 @!p0 $0x2  }
0x1f4: {  	_ =	swait.ge @!p0 [sflag:s0], s1  }
0x1f5: {  	s1 =	ssub.s32 @!p0 $0x0, s1;
	[sflag:s0] =	ssyncset.done @!p0 $0x0  }
0x1f6: {  	[sflag:s0] =	ssyncadd.s32 @!p0 s1  }
0x1f7: {  	[bflag:$0x3] =	sbarrier.arrive $0xFFFF  }
0x1f8: {  	_ =	shalt  }

</sc_bundles>
